<compile_context>
chip_gen: v7x
topology: tpu7x:2x2x1
jax: 0.10.2.dev20260603
libtpu: 0.0.44.dev20260713+nightly
codegen_flags: <defaults>
</compile_context>

<pallas_src>
import functools

import jax
import jax.numpy as jnp
from jax import lax
from jax.experimental import pallas as pl
from jax.experimental.pallas import tpu as pltpu
from jax.experimental.pallas import tpu_sc as plsc

_ROWS, _COLS = 32768, 2048
_TC_ROWS = 30720
_CH = 256
_NBUF = 8
_NC, _NS, _L = 2, 16, 16
_NW = _NC * _NS
_SC_CH = 16
_UNROLL = 8

_I32MAX = jnp.iinfo(jnp.int32).max


def _tc_body(x_hbm, val_ref, idx_ref, buf, sems, *, nsteps):
    i = pl.program_id(0)

    def copy(slot, step):
        return pltpu.make_async_copy(
            x_hbm.at[pl.ds(step * _CH, _CH), :],
            buf.at[slot],
            sems.at[slot],
        )

    @pl.when(i == 0)
    def _():
        val_ref[0, 0] = -jnp.inf
        idx_ref[0, 0] = 0
        for k in range(_NBUF):
            copy(k, k).start()

    slot = lax.rem(i, _NBUF)
    copy(slot, i).wait()
    xb = buf[slot]
    sq = jnp.sum(xb * xb, axis=1, keepdims=True)
    bv = jnp.max(sq)

    @pl.when(i + _NBUF < nsteps)
    def _():
        copy(slot, i + _NBUF).start()

    @pl.when(bv > val_ref[0, 0])
    def _():
        val_ref[0, 0] = bv
        row_ids = jax.lax.broadcasted_iota(jnp.int32, (_CH, 1), 0)
        idx_ref[0, 0] = i * _CH + jnp.min(jnp.where(sq == bv, row_ids, _CH))


def _tc_scan(x):
    nsteps = _TC_ROWS // _CH
    return pl.pallas_call(
        functools.partial(_tc_body, nsteps=nsteps),
        grid=(nsteps,),
        in_specs=[pl.BlockSpec(memory_space=pl.ANY)],
        out_specs=[
            pl.BlockSpec(memory_space=pltpu.SMEM),
            pl.BlockSpec(memory_space=pltpu.SMEM),
        ],
        out_shape=[
            jax.ShapeDtypeStruct((1, 1), jnp.float32),
            jax.ShapeDtypeStruct((1, 1), jnp.int32),
        ],
        scratch_shapes=[
            pltpu.VMEM((_NBUF, _CH, _COLS), jnp.float32),
            pltpu.SemaphoreType.DMA((_NBUF,)),
        ],
        compiler_params=pltpu.CompilerParams(
            dimension_semantics=("arbitrary",),
        ),
    )(x)


def _sc_scan(x):
    sc_rows = _ROWS - _TC_ROWS
    rows_w = sc_rows // _NW
    nch = rows_w // _SC_CH
    mesh = plsc.VectorSubcoreMesh(core_axis_name="c", subcore_axis_name="s")

    @functools.partial(
        pl.kernel,
        mesh=mesh,
        out_type=[
            jax.ShapeDtypeStruct((_NW, _L), jnp.float32),
            jax.ShapeDtypeStruct((_NW, _L), jnp.int32),
        ],
        scratch_types=[
            pltpu.VMEM((2, _SC_CH, _COLS), jnp.float32),
            pltpu.VMEM((_L,), jnp.float32),
            pltpu.VMEM((_L,), jnp.int32),
            pltpu.SemaphoreType.DMA((2,)),
        ],
        compiler_params=pltpu.CompilerParams(needs_layout_passes=False),
    )
    def k(x_hbm, val_out, idx_out, buf, stage_v, stage_i, sems):
        wid = lax.axis_index("s") * _NC + lax.axis_index("c")
        base = _TC_ROWS + wid * rows_w

        def copy(slot, ch):
            return pltpu.make_async_copy(
                x_hbm.at[pl.ds(base + ch * _SC_CH, _SC_CH), :],
                buf.at[slot],
                sems.at[slot],
            )

        copy(0, 0).start()
        copy(1, 1).start()

        def chunk_pair(p, carry):
            for b in range(2):
                ch = 2 * p + b
                copy(b, ch).wait()

                def row_body(r, c2):
                    def col_body(j0, acc):
                        for u in range(_UNROLL):
                            v = buf[b, r, pl.ds((j0 * _UNROLL + u) * _L, _L)]
                            acc = acc + v * v
                        return acc

                    acc = lax.fori_loop(
                        0, _COLS // (_L * _UNROLL), col_body,
                        jnp.zeros((_L,), jnp.float32))
                    ssum = jnp.sum(acc)
                    bv, bi = c2
                    better = ssum > bv
                    nbv = jnp.where(better, ssum, bv)
                    nbi = jnp.where(better, base + ch * _SC_CH + r, bi)
                    return (nbv, nbi)

                carry = lax.fori_loop(0, _SC_CH, row_body, carry)

                @pl.when(ch + 2 < nch)
                def _():
                    copy(b, ch + 2).start()

            return carry

        bv, bi = lax.fori_loop(0, nch // 2, chunk_pair,
                               (-jnp.inf, jnp.int32(0)))
        stage_v[...] = jnp.full((_L,), bv, jnp.float32)
        stage_i[...] = jnp.full((_L,), bi, jnp.int32)
        pltpu.sync_copy(stage_v, val_out.at[wid])
        pltpu.sync_copy(stage_i, idx_out.at[wid])

    return k(x)


def _combine_body(x_hbm, tcv_ref, tci_ref, scv_ref, sci_ref, o_ref, sem,
                  bi_ref):
    scv = scv_ref[...]
    sci = sci_ref[...]
    tcv = tcv_ref[0, 0]
    m_sc = jnp.max(scv)
    bi_sc = jnp.min(jnp.where(scv == m_sc, sci, _I32MAX))
    bi_ref[0] = jnp.where(tcv >= m_sc, tci_ref[0, 0], bi_sc)
    pltpu.make_async_copy(
        x_hbm.at[pl.ds(bi_ref[0], 1), :], o_ref, sem).start()
    pltpu.make_async_copy(
        x_hbm.at[pl.ds(bi_ref[0], 1), :], o_ref, sem).wait()


def _combine(x, tcv, tci, scv, sci):
    return pl.pallas_call(
        _combine_body,
        in_specs=[
            pl.BlockSpec(memory_space=pl.ANY),
            pl.BlockSpec(memory_space=pltpu.SMEM),
            pl.BlockSpec(memory_space=pltpu.SMEM),
            pl.BlockSpec((_NW, _L), lambda: (0, 0)),
            pl.BlockSpec((_NW, _L), lambda: (0, 0)),
        ],
        out_specs=pl.BlockSpec((1, _COLS), lambda: (0, 0)),
        out_shape=jax.ShapeDtypeStruct((1, _COLS), jnp.float32),
        scratch_shapes=[
            pltpu.SemaphoreType.DMA,
            pltpu.SMEM((1,), jnp.int32),
        ],
    )(x, tcv, tci, scv, sci)


def kernel(x):
    scv, sci = _sc_scan(x)
    tcv, tci = _tc_scan(x)
    return _combine(x, tcv, tci, scv, sci)

# --- scband reference (transcript-rebuilt; emitter-appended) ---
"""Pipeline reference for scband-max-response-62045097558090 (READ-ONLY COPY).

The authoritative reference and input builder live on the scoring server;
editing this copy changes nothing except your own understanding.
"""

import jax, jax.numpy as jnp
import numpy as np


def setup_inputs(seed: int = 0) -> dict:
    key = jax.random.key(seed)
    x = jax.random.normal(key, (32768, 2048), dtype=jnp.float32)
    return {"x": x}


def reference(x):
    # norm over last dim for each row, pick row with max L2 norm
    norms = jnp.linalg.norm(x, axis=-1)
    idx = jnp.argmax(norms)
    return x[idx].reshape(1, -1)

if __name__ == "__main__":
    import jax
    _d = setup_inputs()
    print(jax.jit(kernel)(*tuple(_d.values())))

</pallas_src>

<mosaic_0001>
#map = affine_map<(d0, d1) -> (0, 0)>
module attributes {stable_mosaic.version = 14 : i64} {
  func.func @k(%arg0: i32, %arg1: i32, %arg2: memref<32768x2048xf32, #tpu.memory_space<hbm>>, %arg3: memref<32x16xf32, #tpu.memory_space<hbm>>, %arg4: memref<32x16xi32, #tpu.memory_space<hbm>>, %arg5: memref<2x16x2048xf32, #tpu.memory_space<vmem>>, %arg6: memref<16xf32, #tpu.memory_space<vmem>>, %arg7: memref<16xi32, #tpu.memory_space<vmem>>, %arg8: memref<2x!tpu.dma_semaphore, #tpu.memory_space<semaphore_mem>>) attributes {dimension_semantics = [#tpu.dimension_semantics<core_parallel>, #tpu.dimension_semantics<subcore_parallel>], iteration_bounds = array<i64: 2, 16>, scalar_prefetch = 0 : i64, scratch_operands = 4 : i64, tpu.core_type = #tpu.core_type<sc_vector_subcore>, window_params = [{transform_indices = #map}, {transform_indices = #map}, {transform_indices = #map}]} {
    %mul3A = arith.constant 2 : i32
    %mul3A_0 = arith.muli %arg1, %mul3A : i32
    %add3A = arith.addi %mul3A_0, %arg0 : i32
    %mul3A_1 = arith.constant 64 : i32
    %mul3A_2 = arith.muli %add3A, %mul3A_1 : i32
    %add3A_3 = arith.constant 30720 : i32
    %add3A_4 = arith.addi %add3A_3, %mul3A_2 : i32
    %add3A_5 = arith.constant 0 : i32
    %add3A_6 = arith.addi %add3A_4, %add3A_5 : i32
    %dma_start3A = arith.constant 0 : i32
    %dma_start3A_7 = arith.constant 0 : i32
    %dma_start3A_8 = arith.constant 0 : i32
    %dma_start3A_9 = arith.constant 0 : i32
    %dma_start3A_10 = tpu.memref_slice %arg5[%dma_start3A, %dma_start3A_8, %dma_start3A_9] : memref<2x16x2048xf32, #tpu.memory_space<vmem>> -> memref<1x16x2048xf32, #tpu.memory_space<vmem>>
    %dma_start3A_11 = tpu.memref_squeeze %dma_start3A_10 : memref<1x16x2048xf32, #tpu.memory_space<vmem>> -> memref<16x2048xf32, #tpu.memory_space<vmem>>
    %dma_start3A_12 = arith.constant 0 : i32
    %dma_start3A_13 = tpu.memref_slice %arg2[%add3A_6, %dma_start3A_12] : memref<32768x2048xf32, #tpu.memory_space<hbm>> -> memref<16x2048xf32, #tpu.memory_space<hbm>>
    %dma_start3A_14 = tpu.memref_slice %arg8[%dma_start3A_7] : memref<2x!tpu.dma_semaphore, #tpu.memory_space<semaphore_mem>> -> memref<1x!tpu.dma_semaphore, #tpu.memory_space<semaphore_mem>>
    %dma_start3A_15 = tpu.memref_squeeze %dma_start3A_14 : memref<1x!tpu.dma_semaphore, #tpu.memory_space<semaphore_mem>> -> memref<!tpu.dma_semaphore, #tpu.memory_space<semaphore_mem>>
    %dma_start3A_16 = arith.constant 0 : i32
    %dma_start3A_17 = arith.constant 0 : i32
    %dma_start3A_18 = tpu.memref_slice %arg5[%dma_start3A, %dma_start3A_16, %dma_start3A_17] : memref<2x16x2048xf32, #tpu.memory_space<vmem>> -> memref<1x16x2048xf32, #tpu.memory_space<vmem>>
    %dma_start3A_19 = tpu.memref_squeeze %dma_start3A_18 : memref<1x16x2048xf32, #tpu.memory_space<vmem>> -> memref<16x2048xf32, #tpu.memory_space<vmem>>
    %dma_start3A_20 = arith.constant 0 : i32
    %dma_start3A_21 = tpu.memref_slice %arg2[%add3A_6, %dma_start3A_20] : memref<32768x2048xf32, #tpu.memory_space<hbm>> -> memref<16x2048xf32, #tpu.memory_space<hbm>>
    tpu.enqueue_dma source(%dma_start3A_21 : memref<16x2048xf32, #tpu.memory_space<hbm>>) target(%dma_start3A_19 : memref<16x2048xf32, #tpu.memory_space<vmem>>) target_semaphore(%dma_start3A_15 : memref<!tpu.dma_semaphore, #tpu.memory_space<semaphore_mem>>)
    %add3A_22 = arith.constant 16 : i32
    %add3A_23 = arith.addi %add3A_4, %add3A_22 : i32
    %dma_start3A_24 = arith.constant 1 : i32
    %dma_start3A_25 = arith.constant 1 : i32
    %dma_start3A_26 = arith.constant 0 : i32
    %dma_start3A_27 = arith.constant 0 : i32
    %dma_start3A_28 = tpu.memref_slice %arg5[%dma_start3A_24, %dma_start3A_26, %dma_start3A_27] : memref<2x16x2048xf32, #tpu.memory_space<vmem>> -> memref<1x16x2048xf32, #tpu.memory_space<vmem>>
    %dma_start3A_29 = tpu.memref_squeeze %dma_start3A_28 : memref<1x16x2048xf32, #tpu.memory_space<vmem>> -> memref<16x2048xf32, #tpu.memory_space<vmem>>
    %dma_start3A_30 = arith.constant 0 : i32
    %dma_start3A_31 = tpu.memref_slice %arg2[%add3A_23, %dma_start3A_30] : memref<32768x2048xf32, #tpu.memory_space<hbm>> -> memref<16x2048xf32, #tpu.memory_space<hbm>>
    %dma_start3A_32 = tpu.memref_slice %arg8[%dma_start3A_25] : memref<2x!tpu.dma_semaphore, #tpu.memory_space<semaphore_mem>> -> memref<1x!tpu.dma_semaphore, #tpu.memory_space<semaphore_mem>>
    %dma_start3A_33 = tpu.memref_squeeze %dma_start3A_32 : memref<1x!tpu.dma_semaphore, #tpu.memory_space<semaphore_mem>> -> memref<!tpu.dma_semaphore, #tpu.memory_space<semaphore_mem>>
    %dma_start3A_34 = arith.constant 0 : i32
    %dma_start3A_35 = arith.constant 0 : i32
    %dma_start3A_36 = tpu.memref_slice %arg5[%dma_start3A_24, %dma_start3A_34, %dma_start3A_35] : memref<2x16x2048xf32, #tpu.memory_space<vmem>> -> memref<1x16x2048xf32, #tpu.memory_space<vmem>>
    %dma_start3A_37 = tpu.memref_squeeze %dma_start3A_36 : memref<1x16x2048xf32, #tpu.memory_space<vmem>> -> memref<16x2048xf32, #tpu.memory_space<vmem>>
    %dma_start3A_38 = arith.constant 0 : i32
    %dma_start3A_39 = tpu.memref_slice %arg2[%add3A_23, %dma_start3A_38] : memref<32768x2048xf32, #tpu.memory_space<hbm>> -> memref<16x2048xf32, #tpu.memory_space<hbm>>
    tpu.enqueue_dma source(%dma_start3A_39 : memref<16x2048xf32, #tpu.memory_space<hbm>>) target(%dma_start3A_37 : memref<16x2048xf32, #tpu.memory_space<vmem>>) target_semaphore(%dma_start3A_33 : memref<!tpu.dma_semaphore, #tpu.memory_space<semaphore_mem>>)
    %scan3A = arith.constant 0xFF800000 : f32
    %scan3A_40 = arith.constant 0 : i32
    %scan3A_41 = arith.constant 0 : i32
    %scan3A_42 = arith.constant 2 : i32
    %scan3A_43 = arith.addi %scan3A_41, %scan3A_42 : i32
    %scan3A_44 = arith.constant 1 : i32
    %scan3A_45:2 = scf.for %scan3A_51 = %scan3A_41 to %scan3A_43 step %scan3A_44 iter_args(%scan3A_52 = %scan3A, %scan3A_53 = %scan3A_40) -> (f32, i32)  : i32 {
      %mul3A_54 = arith.constant 2 : i32
      %mul3A_55 = arith.muli %mul3A_54, %scan3A_51 : i32
      %add3A_56 = arith.constant 0 : i32
      %add3A_57 = arith.addi %mul3A_55, %add3A_56 : i32
      %mul3A_58 = arith.constant 16 : i32
      %mul3A_59 = arith.muli %add3A_57, %mul3A_58 : i32
      %add3A_60 = arith.addi %add3A_4, %mul3A_59 : i32
      %dma_wait3A = arith.constant 0 : i32
      %dma_wait3A_61 = arith.constant 0 : i32
      %dma_wait3A_62 = arith.constant 0 : i32
      %dma_wait3A_63 = arith.constant 0 : i32
      %dma_wait3A_64 = tpu.memref_slice %arg5[%dma_wait3A, %dma_wait3A_62, %dma_wait3A_63] : memref<2x16x2048xf32, #tpu.memory_space<vmem>> -> memref<1x16x2048xf32, #tpu.memory_space<vmem>>
      %dma_wait3A_65 = tpu.memref_squeeze %dma_wait3A_64 : memref<1x16x2048xf32, #tpu.memory_space<vmem>> -> memref<16x2048xf32, #tpu.memory_space<vmem>>
      %dma_wait3A_66 = arith.constant 0 : i32
      %dma_wait3A_67 = tpu.memref_slice %arg2[%add3A_60, %dma_wait3A_66] : memref<32768x2048xf32, #tpu.memory_space<hbm>> -> memref<16x2048xf32, #tpu.memory_space<hbm>>
      %dma_wait3A_68 = tpu.memref_slice %arg8[%dma_wait3A_61] : memref<2x!tpu.dma_semaphore, #tpu.memory_space<semaphore_mem>> -> memref<1x!tpu.dma_semaphore, #tpu.memory_space<semaphore_mem>>
      %dma_wait3A_69 = tpu.memref_squeeze %dma_wait3A_68 : memref<1x!tpu.dma_semaphore, #tpu.memory_space<semaphore_mem>> -> memref<!tpu.dma_semaphore, #tpu.memory_space<semaphore_mem>>
      %dma_wait3A_70 = arith.constant 0 : i32
      %dma_wait3A_71 = arith.constant 0 : i32
      %dma_wait3A_72 = tpu.memref_slice %arg5[%dma_wait3A, %dma_wait3A_70, %dma_wait3A_71] : memref<2x16x2048xf32, #tpu.memory_space<vmem>> -> memref<1x16x2048xf32, #tpu.memory_space<vmem>>
      %dma_wait3A_73 = tpu.memref_squeeze %dma_wait3A_72 : memref<1x16x2048xf32, #tpu.memory_space<vmem>> -> memref<16x2048xf32, #tpu.memory_space<vmem>>
      %dma_wait3A_74 = arith.constant 0 : i32
      %dma_wait3A_75 = tpu.memref_slice %arg2[%add3A_60, %dma_wait3A_74] : memref<32768x2048xf32, #tpu.memory_space<hbm>> -> memref<16x2048xf32, #tpu.memory_space<hbm>>
      tpu.wait_dma2 semaphore(%dma_wait3A_69 : memref<!tpu.dma_semaphore, #tpu.memory_space<semaphore_mem>>) src(%dma_wait3A_75 : memref<16x2048xf32, #tpu.memory_space<hbm>>) dst(%dma_wait3A_73 : memref<16x2048xf32, #tpu.memory_space<vmem>>)
      %scan3A_76 = arith.constant 0 : i32
      %scan3A_77 = arith.constant 16 : i32
      %scan3A_78 = arith.addi %scan3A_76, %scan3A_77 : i32
      %scan3A_79 = arith.constant 1 : i32
      %scan3A_80:2 = scf.for %scan3A_122 = %scan3A_76 to %scan3A_78 step %scan3A_79 iter_args(%scan3A_123 = %scan3A_52, %scan3A_124 = %scan3A_53) -> (f32, i32)  : i32 {
        %broadcast_in_dim3A_125 = arith.constant 0.000000e+00 : f32
        %broadcast_in_dim3A_126 = vector.broadcast %broadcast_in_dim3A_125 : f32 to vector<16xf32>
        %scan3A_127 = arith.constant 0 : i32
        %scan3A_128 = arith.constant 16 : i32
        %scan3A_129 = arith.addi %scan3A_127, %scan3A_128 : i32
        %scan3A_130 = arith.constant 1 : i32
        %scan3A_131 = scf.for %scan3A_141 = %scan3A_127 to %scan3A_129 step %scan3A_130 iter_args(%scan3A_142 = %broadcast_in_dim3A_126) -> (vector<16xf32>)  : i32 {
          %mul3A_143 = arith.constant 8 : i32
          %mul3A_144 = arith.muli %scan3A_141, %mul3A_143 : i32
          %add3A_145 = arith.constant 0 : i32
          %add3A_146 = arith.addi %mul3A_144, %add3A_145 : i32
          %mul3A_147 = arith.constant 16 : i32
          %mul3A_148 = arith.muli %add3A_146, %mul3A_147 : i32
          %get3A = arith.constant 0 : i32
          %get3A_149 = arith.index_cast %get3A : i32 to index
          %get3A_150 = arith.index_cast %scan3A_122 : i32 to index
          %get3A_151 = arith.index_cast %mul3A_148 : i32 to index
          %get3A_152 = tpu.vector_load %arg5[%get3A_149, %get3A_150, %get3A_151] {strides = array<i32>} : memref<2x16x2048xf32, #tpu.memory_space<vmem>>, vector<16xf32>,
          %mul3A_153 = arith.mulf %get3A_152, %get3A_152 : vector<16xf32>
          %add3A_154 = arith.addf %scan3A_142, %mul3A_153 : vector<16xf32>
          %mul3A_155 = arith.constant 8 : i32
          %mul3A_156 = arith.muli %scan3A_141, %mul3A_155 : i32
          %add3A_157 = arith.constant 1 : i32
          %add3A_158 = arith.addi %mul3A_156, %add3A_157 : i32
          %mul3A_159 = arith.constant 16 : i32
          %mul3A_160 = arith.muli %add3A_158, %mul3A_159 : i32
          %get3A_161 = arith.constant 0 : i32
          %get3A_162 = arith.index_cast %get3A_161 : i32 to index
          %get3A_163 = arith.index_cast %scan3A_122 : i32 to index
          %get3A_164 = arith.index_cast %mul3A_160 : i32 to index
          %get3A_165 = tpu.vector_load %arg5[%get3A_162, %get3A_163, %get3A_164] {strides = array<i32>} : memref<2x16x2048xf32, #tpu.memory_space<vmem>>, vector<16xf32>,
          %mul3A_166 = arith.mulf %get3A_165, %get3A_165 : vector<16xf32>
          %add3A_167 = arith.addf %add3A_154, %mul3A_166 : vector<16xf32>
          %mul3A_168 = arith.constant 8 : i32
          %mul3A_169 = arith.muli %scan3A_141, %mul3A_168 : i32
          %add3A_170 = arith.constant 2 : i32
          %add3A_171 = arith.addi %mul3A_169, %add3A_170 : i32
          %mul3A_172 = arith.constant 16 : i32
          %mul3A_173 = arith.muli %add3A_171, %mul3A_172 : i32
          %get3A_174 = arith.constant 0 : i32
          %get3A_175 = arith.index_cast %get3A_174 : i32 to index
          %get3A_176 = arith.index_cast %scan3A_122 : i32 to index
          %get3A_177 = arith.index_cast %mul3A_173 : i32 to index
          %get3A_178 = tpu.vector_load %arg5[%get3A_175, %get3A_176, %get3A_177] {strides = array<i32>} : memref<2x16x2048xf32, #tpu.memory_space<vmem>>, vector<16xf32>,
          %mul3A_179 = arith.mulf %get3A_178, %get3A_178 : vector<16xf32>
          %add3A_180 = arith.addf %add3A_167, %mul3A_179 : vector<16xf32>
          %mul3A_181 = arith.constant 8 : i32
          %mul3A_182 = arith.muli %scan3A_141, %mul3A_181 : i32
          %add3A_183 = arith.constant 3 : i32
          %add3A_184 = arith.addi %mul3A_182, %add3A_183 : i32
          %mul3A_185 = arith.constant 16 : i32
          %mul3A_186 = arith.muli %add3A_184, %mul3A_185 : i32
          %get3A_187 = arith.constant 0 : i32
          %get3A_188 = arith.index_cast %get3A_187 : i32 to index
          %get3A_189 = arith.index_cast %scan3A_122 : i32 to index
          %get3A_190 = arith.index_cast %mul3A_186 : i32 to index
          %get3A_191 = tpu.vector_load %arg5[%get3A_188, %get3A_189, %get3A_190] {strides = array<i32>} : memref<2x16x2048xf32, #tpu.memory_space<vmem>>, vector<16xf32>,
          %mul3A_192 = arith.mulf %get3A_191, %get3A_191 : vector<16xf32>
          %add3A_193 = arith.addf %add3A_180, %mul3A_192 : vector<16xf32>
          %mul3A_194 = arith.constant 8 : i32
          %mul3A_195 = arith.muli %scan3A_141, %mul3A_194 : i32
          %add3A_196 = arith.constant 4 : i32
          %add3A_197 = arith.addi %mul3A_195, %add3A_196 : i32
          %mul3A_198 = arith.constant 16 : i32
          %mul3A_199 = arith.muli %add3A_197, %mul3A_198 : i32
          %get3A_200 = arith.constant 0 : i32
          %get3A_201 = arith.index_cast %get3A_200 : i32 to index
          %get3A_202 = arith.index_cast %scan3A_122 : i32 to index
          %get3A_203 = arith.index_cast %mul3A_199 : i32 to index
          %get3A_204 = tpu.vector_load %arg5[%get3A_201, %get3A_202, %get3A_203] {strides = array<i32>} : memref<2x16x2048xf32, #tpu.memory_space<vmem>>, vector<16xf32>,
          %mul3A_205 = arith.mulf %get3A_204, %get3A_204 : vector<16xf32>
          %add3A_206 = arith.addf %add3A_193, %mul3A_205 : vector<16xf32>
          %mul3A_207 = arith.constant 8 : i32
          %mul3A_208 = arith.muli %scan3A_141, %mul3A_207 : i32
          %add3A_209 = arith.constant 5 : i32
          %add3A_210 = arith.addi %mul3A_208, %add3A_209 : i32
          %mul3A_211 = arith.constant 16 : i32
          %mul3A_212 = arith.muli %add3A_210, %mul3A_211 : i32
          %get3A_213 = arith.constant 0 : i32
          %get3A_214 = arith.index_cast %get3A_213 : i32 to index
          %get3A_215 = arith.index_cast %scan3A_122 : i32 to index
          %get3A_216 = arith.index_cast %mul3A_212 : i32 to index
          %get3A_217 = tpu.vector_load %arg5[%get3A_214, %get3A_215, %get3A_216] {strides = array<i32>} : memref<2x16x2048xf32, #tpu.memory_space<vmem>>, vector<16xf32>,
          %mul3A_218 = arith.mulf %get3A_217, %get3A_217 : vector<16xf32>
          %add3A_219 = arith.addf %add3A_206, %mul3A_218 : vector<16xf32>
          %mul3A_220 = arith.constant 8 : i32
          %mul3A_221 = arith.muli %scan3A_141, %mul3A_220 : i32
          %add3A_222 = arith.constant 6 : i32
          %add3A_223 = arith.addi %mul3A_221, %add3A_222 : i32
          %mul3A_224 = arith.constant 16 : i32
          %mul3A_225 = arith.muli %add3A_223, %mul3A_224 : i32
          %get3A_226 = arith.constant 0 : i32
          %get3A_227 = arith.index_cast %get3A_226 : i32 to index
          %get3A_228 = arith.index_cast %scan3A_122 : i32 to index
          %get3A_229 = arith.index_cast %mul3A_225 : i32 to index
          %get3A_230 = tpu.vector_load %arg5[%get3A_227, %get3A_228, %get3A_229] {strides = array<i32>} : memref<2x16x2048xf32, #tpu.memory_space<vmem>>, vector<16xf32>,
          %mul3A_231 = arith.mulf %get3A_230, %get3A_230 : vector<16xf32>
          %add3A_232 = arith.addf %add3A_219, %mul3A_231 : vector<16xf32>
          %mul3A_233 = arith.constant 8 : i32
          %mul3A_234 = arith.muli %scan3A_141, %mul3A_233 : i32
          %add3A_235 = arith.constant 7 : i32
          %add3A_236 = arith.addi %mul3A_234, %add3A_235 : i32
          %mul3A_237 = arith.constant 16 : i32
          %mul3A_238 = arith.muli %add3A_236, %mul3A_237 : i32
          %get3A_239 = arith.constant 0 : i32
          %get3A_240 = arith.index_cast %get3A_239 : i32 to index
          %get3A_241 = arith.index_cast %scan3A_122 : i32 to index
          %get3A_242 = arith.index_cast %mul3A_238 : i32 to index
          %get3A_243 = tpu.vector_load %arg5[%get3A_240, %get3A_241, %get3A_242] {strides = array<i32>} : memref<2x16x2048xf32, #tpu.memory_space<vmem>>, vector<16xf32>,
          %mul3A_244 = arith.mulf %get3A_243, %get3A_243 : vector<16xf32>
          %add3A_245 = arith.addf %add3A_232, %mul3A_244 : vector<16xf32>
          scf.yield %add3A_245 : vector<16xf32>
        }
        %scan3A_132 = arith.constant 16 : i32
        %reduce_sum3A = arith.constant true
        %reduce_sum3A_133 = vector.broadcast %reduce_sum3A : i1 to vector<16xi1>
        %reduce_sum3A_134 = tpu.scan <sum>, %scan3A_131 masked %reduce_sum3A_133 : vector<16xf32>, vector<16xi1> -> vector<16xf32>
        %reduce_sum3A_135 = vector.extract %reduce_sum3A_134[15] : f32 from vector<16xf32>
        %gt3A = arith.cmpf ogt, %reduce_sum3A_135, %scan3A_123 : f32
        %select_n3A = arith.select %gt3A, %reduce_sum3A_135, %scan3A_123 : f32
        %mul3A_136 = arith.constant 16 : i32
        %mul3A_137 = arith.muli %add3A_57, %mul3A_136 : i32
        %add3A_138 = arith.addi %add3A_4, %mul3A_137 : i32
        %add3A_139 = arith.addi %add3A_138, %scan3A_122 : i32
        %select_n3A_140 = arith.select %gt3A, %add3A_139, %scan3A_124 : i32
        scf.yield %select_n3A, %select_n3A_140 : f32, i32
      }
      %scan3A_81 = arith.constant 16 : i32
      %add3A_82 = arith.constant 2 : i32
      %add3A_83 = arith.addi %add3A_57, %add3A_82 : i32
      %lt3A = arith.constant 4 : i32
      %lt3A_84 = arith.cmpi slt, %add3A_83, %lt3A : i32
      %convert_element_type3A = arith.extui %lt3A_84 : i1 to i32
      %cond3A = arith.constant 0 : i32
      %cond3A_85 = arith.cmpi ne, %convert_element_type3A, %cond3A : i32
      scf.if %cond3A_85 {
        %add3A_122 = arith.constant 2 : i32
        %add3A_123 = arith.addi %add3A_57, %add3A_122 : i32
        %mul3A_124 = arith.constant 16 : i32
        %mul3A_125 = arith.muli %add3A_123, %mul3A_124 : i32
        %add3A_126 = arith.addi %add3A_4, %mul3A_125 : i32
        %dma_start3A_127 = arith.constant 0 : i32
        %dma_start3A_128 = arith.constant 0 : i32
        %dma_start3A_129 = arith.constant 0 : i32
        %dma_start3A_130 = arith.constant 0 : i32
        %dma_start3A_131 = tpu.memref_slice %arg5[%dma_start3A_127, %dma_start3A_129, %dma_start3A_130] : memref<2x16x2048xf32, #tpu.memory_space<vmem>> -> memref<1x16x2048xf32, #tpu.memory_space<vmem>>
        %dma_start3A_132 = tpu.memref_squeeze %dma_start3A_131 : memref<1x16x2048xf32, #tpu.memory_space<vmem>> -> memref<16x2048xf32, #tpu.memory_space<vmem>>
        %dma_start3A_133 = arith.constant 0 : i32
        %dma_start3A_134 = tpu.memref_slice %arg2[%add3A_126, %dma_start3A_133] : memref<32768x2048xf32, #tpu.memory_space<hbm>> -> memref<16x2048xf32, #tpu.memory_space<hbm>>
        %dma_start3A_135 = tpu.memref_slice %arg8[%dma_start3A_128] : memref<2x!tpu.dma_semaphore, #tpu.memory_space<semaphore_mem>> -> memref<1x!tpu.dma_semaphore, #tpu.memory_space<semaphore_mem>>
        %dma_start3A_136 = tpu.memref_squeeze %dma_start3A_135 : memref<1x!tpu.dma_semaphore, #tpu.memory_space<semaphore_mem>> -> memref<!tpu.dma_semaphore, #tpu.memory_space<semaphore_mem>>
        %dma_start3A_137 = arith.constant 0 : i32
        %dma_start3A_138 = arith.constant 0 : i32
        %dma_start3A_139 = tpu.memref_slice %arg5[%dma_start3A_127, %dma_start3A_137, %dma_start3A_138] : memref<2x16x2048xf32, #tpu.memory_space<vmem>> -> memref<1x16x2048xf32, #tpu.memory_space<vmem>>
        %dma_start3A_140 = tpu.memref_squeeze %dma_start3A_139 : memref<1x16x2048xf32, #tpu.memory_space<vmem>> -> memref<16x2048xf32, #tpu.memory_space<vmem>>
        %dma_start3A_141 = arith.constant 0 : i32
        %dma_start3A_142 = tpu.memref_slice %arg2[%add3A_126, %dma_start3A_141] : memref<32768x2048xf32, #tpu.memory_space<hbm>> -> memref<16x2048xf32, #tpu.memory_space<hbm>>
        tpu.enqueue_dma source(%dma_start3A_142 : memref<16x2048xf32, #tpu.memory_space<hbm>>) target(%dma_start3A_140 : memref<16x2048xf32, #tpu.memory_space<vmem>>) target_semaphore(%dma_start3A_136 : memref<!tpu.dma_semaphore, #tpu.memory_space<semaphore_mem>>)
      } else {
      }
      %mul3A_86 = arith.constant 2 : i32
      %mul3A_87 = arith.muli %mul3A_86, %scan3A_51 : i32
      %add3A_88 = arith.constant 1 : i32
      %add3A_89 = arith.addi %mul3A_87, %add3A_88 : i32
      %mul3A_90 = arith.constant 16 : i32
      %mul3A_91 = arith.muli %add3A_89, %mul3A_90 : i32
      %add3A_92 = arith.addi %add3A_4, %mul3A_91 : i32
      %dma_wait3A_93 = arith.constant 1 : i32
      %dma_wait3A_94 = arith.constant 1 : i32
      %dma_wait3A_95 = arith.constant 0 : i32
      %dma_wait3A_96 = arith.constant 0 : i32
      %dma_wait3A_97 = tpu.memref_slice %arg5[%dma_wait3A_93, %dma_wait3A_95, %dma_wait3A_96] : memref<2x16x2048xf32, #tpu.memory_space<vmem>> -> memref<1x16x2048xf32, #tpu.memory_space<vmem>>
      %dma_wait3A_98 = tpu.memref_squeeze %dma_wait3A_97 : memref<1x16x2048xf32, #tpu.memory_space<vmem>> -> memref<16x2048xf32, #tpu.memory_space<vmem>>
      %dma_wait3A_99 = arith.constant 0 : i32
      %dma_wait3A_100 = tpu.memref_slice %arg2[%add3A_92, %dma_wait3A_99] : memref<32768x2048xf32, #tpu.memory_space<hbm>> -> memref<16x2048xf32, #tpu.memory_space<hbm>>
      %dma_wait3A_101 = tpu.memref_slice %arg8[%dma_wait3A_94] : memref<2x!tpu.dma_semaphore, #tpu.memory_space<semaphore_mem>> -> memref<1x!tpu.dma_semaphore, #tpu.memory_space<semaphore_mem>>
      %dma_wait3A_102 = tpu.memref_squeeze %dma_wait3A_101 : memref<1x!tpu.dma_semaphore, #tpu.memory_space<semaphore_mem>> -> memref<!tpu.dma_semaphore, #tpu.memory_space<semaphore_mem>>
      %dma_wait3A_103 = arith.constant 0 : i32
      %dma_wait3A_104 = arith.constant 0 : i32
      %dma_wait3A_105 = tpu.memref_slice %arg5[%dma_wait3A_93, %dma_wait3A_103, %dma_wait3A_104] : memref<2x16x2048xf32, #tpu.memory_space<vmem>> -> memref<1x16x2048xf32, #tpu.memory_space<vmem>>
      %dma_wait3A_106 = tpu.memref_squeeze %dma_wait3A_105 : memref<1x16x2048xf32, #tpu.memory_space<vmem>> -> memref<16x2048xf32, #tpu.memory_space<vmem>>
      %dma_wait3A_107 = arith.constant 0 : i32
      %dma_wait3A_108 = tpu.memref_slice %arg2[%add3A_92, %dma_wait3A_107] : memref<32768x2048xf32, #tpu.memory_space<hbm>> -> memref<16x2048xf32, #tpu.memory_space<hbm>>
      tpu.wait_dma2 semaphore(%dma_wait3A_102 : memref<!tpu.dma_semaphore, #tpu.memory_space<semaphore_mem>>) src(%dma_wait3A_108 : memref<16x2048xf32, #tpu.memory_space<hbm>>) dst(%dma_wait3A_106 : memref<16x2048xf32, #tpu.memory_space<vmem>>)
      %scan3A_109 = arith.constant 0 : i32
      %scan3A_110 = arith.constant 16 : i32
      %scan3A_111 = arith.addi %scan3A_109, %scan3A_110 : i32
      %scan3A_112 = arith.constant 1 : i32
      %scan3A_113:2 = scf.for %scan3A_122 = %scan3A_109 to %scan3A_111 step %scan3A_112 iter_args(%scan3A_123 = %scan3A_80#0, %scan3A_124 = %scan3A_80#1) -> (f32, i32)  : i32 {
        %broadcast_in_dim3A_125 = arith.constant 0.000000e+00 : f32
        %broadcast_in_dim3A_126 = vector.broadcast %broadcast_in_dim3A_125 : f32 to vector<16xf32>
        %scan3A_127 = arith.constant 0 : i32
        %scan3A_128 = arith.constant 16 : i32
        %scan3A_129 = arith.addi %scan3A_127, %scan3A_128 : i32
        %scan3A_130 = arith.constant 1 : i32
        %scan3A_131 = scf.for %scan3A_141 = %scan3A_127 to %scan3A_129 step %scan3A_130 iter_args(%scan3A_142 = %broadcast_in_dim3A_126) -> (vector<16xf32>)  : i32 {
          %mul3A_143 = arith.constant 8 : i32
          %mul3A_144 = arith.muli %scan3A_141, %mul3A_143 : i32
          %add3A_145 = arith.constant 0 : i32
          %add3A_146 = arith.addi %mul3A_144, %add3A_145 : i32
          %mul3A_147 = arith.constant 16 : i32
          %mul3A_148 = arith.muli %add3A_146, %mul3A_147 : i32
          %get3A = arith.constant 1 : i32
          %get3A_149 = arith.index_cast %get3A : i32 to index
          %get3A_150 = arith.index_cast %scan3A_122 : i32 to index
          %get3A_151 = arith.index_cast %mul3A_148 : i32 to index
          %get3A_152 = tpu.vector_load %arg5[%get3A_149, %get3A_150, %get3A_151] {strides = array<i32>} : memref<2x16x2048xf32, #tpu.memory_space<vmem>>, vector<16xf32>,
          %mul3A_153 = arith.mulf %get3A_152, %get3A_152 : vector<16xf32>
          %add3A_154 = arith.addf %scan3A_142, %mul3A_153 : vector<16xf32>
          %mul3A_155 = arith.constant 8 : i32
          %mul3A_156 = arith.muli %scan3A_141, %mul3A_155 : i32
          %add3A_157 = arith.constant 1 : i32
          %add3A_158 = arith.addi %mul3A_156, %add3A_157 : i32
          %mul3A_159 = arith.constant 16 : i32
          %mul3A_160 = arith.muli %add3A_158, %mul3A_159 : i32
          %get3A_161 = arith.constant 1 : i32
          %get3A_162 = arith.index_cast %get3A_161 : i32 to index
          %get3A_163 = arith.index_cast %scan3A_122 : i32 to index
          %get3A_164 = arith.index_cast %mul3A_160 : i32 to index
          %get3A_165 = tpu.vector_load %arg5[%get3A_162, %get3A_163, %get3A_164] {strides = array<i32>} : memref<2x16x2048xf32, #tpu.memory_space<vmem>>, vector<16xf32>,
          %mul3A_166 = arith.mulf %get3A_165, %get3A_165 : vector<16xf32>
          %add3A_167 = arith.addf %add3A_154, %mul3A_166 : vector<16xf32>
          %mul3A_168 = arith.constant 8 : i32
          %mul3A_169 = arith.muli %scan3A_141, %mul3A_168 : i32
          %add3A_170 = arith.constant 2 : i32
          %add3A_171 = arith.addi %mul3A_169, %add3A_170 : i32
          %mul3A_172 = arith.constant 16 : i32
          %mul3A_173 = arith.muli %add3A_171, %mul3A_172 : i32
          %get3A_174 = arith.constant 1 : i32
          %get3A_175 = arith.index_cast %get3A_174 : i32 to index
          %get3A_176 = arith.index_cast %scan3A_122 : i32 to index
          %get3A_177 = arith.index_cast %mul3A_173 : i32 to index
          %get3A_178 = tpu.vector_load %arg5[%get3A_175, %get3A_176, %get3A_177] {strides = array<i32>} : memref<2x16x2048xf32, #tpu.memory_space<vmem>>, vector<16xf32>,
          %mul3A_179 = arith.mulf %get3A_178, %get3A_178 : vector<16xf32>
          %add3A_180 = arith.addf %add3A_167, %mul3A_179 : vector<16xf32>
          %mul3A_181 = arith.constant 8 : i32
          %mul3A_182 = arith.muli %scan3A_141, %mul3A_181 : i32
          %add3A_183 = arith.constant 3 : i32
          %add3A_184 = arith.addi %mul3A_182, %add3A_183 : i32
          %mul3A_185 = arith.constant 16 : i32
          %mul3A_186 = arith.muli %add3A_184, %mul3A_185 : i32
          %get3A_187 = arith.constant 1 : i32
          %get3A_188 = arith.index_cast %get3A_187 : i32 to index
          %get3A_189 = arith.index_cast %scan3A_122 : i32 to index
          %get3A_190 = arith.index_cast %mul3A_186 : i32 to index
          %get3A_191 = tpu.vector_load %arg5[%get3A_188, %get3A_189, %get3A_190] {strides = array<i32>} : memref<2x16x2048xf32, #tpu.memory_space<vmem>>, vector<16xf32>,
          %mul3A_192 = arith.mulf %get3A_191, %get3A_191 : vector<16xf32>
          %add3A_193 = arith.addf %add3A_180, %mul3A_192 : vector<16xf32>
          %mul3A_194 = arith.constant 8 : i32
          %mul3A_195 = arith.muli %scan3A_141, %mul3A_194 : i32
          %add3A_196 = arith.constant 4 : i32
          %add3A_197 = arith.addi %mul3A_195, %add3A_196 : i32
          %mul3A_198 = arith.constant 16 : i32
          %mul3A_199 = arith.muli %add3A_197, %mul3A_198 : i32
          %get3A_200 = arith.constant 1 : i32
          %get3A_201 = arith.index_cast %get3A_200 : i32 to index
          %get3A_202 = arith.index_cast %scan3A_122 : i32 to index
          %get3A_203 = arith.index_cast %mul3A_199 : i32 to index
          %get3A_204 = tpu.vector_load %arg5[%get3A_201, %get3A_202, %get3A_203] {strides = array<i32>} : memref<2x16x2048xf32, #tpu.memory_space<vmem>>, vector<16xf32>,
          %mul3A_205 = arith.mulf %get3A_204, %get3A_204 : vector<16xf32>
          %add3A_206 = arith.addf %add3A_193, %mul3A_205 : vector<16xf32>
          %mul3A_207 = arith.constant 8 : i32
          %mul3A_208 = arith.muli %scan3A_141, %mul3A_207 : i32
          %add3A_209 = arith.constant 5 : i32
          %add3A_210 = arith.addi %mul3A_208, %add3A_209 : i32
          %mul3A_211 = arith.constant 16 : i32
          %mul3A_212 = arith.muli %add3A_210, %mul3A_211 : i32
          %get3A_213 = arith.constant 1 : i32
          %get3A_214 = arith.index_cast %get3A_213 : i32 to index
          %get3A_215 = arith.index_cast %scan3A_122 : i32 to index
          %get3A_216 = arith.index_cast %mul3A_212 : i32 to index
          %get3A_217 = tpu.vector_load %arg5[%get3A_214, %get3A_215, %get3A_216] {strides = array<i32>} : memref<2x16x2048xf32, #tpu.memory_space<vmem>>, vector<16xf32>,
          %mul3A_218 = arith.mulf %get3A_217, %get3A_217 : vector<16xf32>
          %add3A_219 = arith.addf %add3A_206, %mul3A_218 : vector<16xf32>
          %mul3A_220 = arith.constant 8 : i32
          %mul3A_221 = arith.muli %scan3A_141, %mul3A_220 : i32
          %add3A_222 = arith.constant 6 : i32
          %add3A_223 = arith.addi %mul3A_221, %add3A_222 : i32
          %mul3A_224 = arith.constant 16 : i32
          %mul3A_225 = arith.muli %add3A_223, %mul3A_224 : i32
          %get3A_226 = arith.constant 1 : i32
          %get3A_227 = arith.index_cast %get3A_226 : i32 to index
          %get3A_228 = arith.index_cast %scan3A_122 : i32 to index
          %get3A_229 = arith.index_cast %mul3A_225 : i32 to index
          %get3A_230 = tpu.vector_load %arg5[%get3A_227, %get3A_228, %get3A_229] {strides = array<i32>} : memref<2x16x2048xf32, #tpu.memory_space<vmem>>, vector<16xf32>,
          %mul3A_231 = arith.mulf %get3A_230, %get3A_230 : vector<16xf32>
          %add3A_232 = arith.addf %add3A_219, %mul3A_231 : vector<16xf32>
          %mul3A_233 = arith.constant 8 : i32
          %mul3A_234 = arith.muli %scan3A_141, %mul3A_233 : i32
          %add3A_235 = arith.constant 7 : i32
          %add3A_236 = arith.addi %mul3A_234, %add3A_235 : i32
          %mul3A_237 = arith.constant 16 : i32
          %mul3A_238 = arith.muli %add3A_236, %mul3A_237 : i32
          %get3A_239 = arith.constant 1 : i32
          %get3A_240 = arith.index_cast %get3A_239 : i32 to index
          %get3A_241 = arith.index_cast %scan3A_122 : i32 to index
          %get3A_242 = arith.index_cast %mul3A_238 : i32 to index
          %get3A_243 = tpu.vector_load %arg5[%get3A_240, %get3A_241, %get3A_242] {strides = array<i32>} : memref<2x16x2048xf32, #tpu.memory_space<vmem>>, vector<16xf32>,
          %mul3A_244 = arith.mulf %get3A_243, %get3A_243 : vector<16xf32>
          %add3A_245 = arith.addf %add3A_232, %mul3A_244 : vector<16xf32>
          scf.yield %add3A_245 : vector<16xf32>
        }
        %scan3A_132 = arith.constant 16 : i32
        %reduce_sum3A = arith.constant true
        %reduce_sum3A_133 = vector.broadcast %reduce_sum3A : i1 to vector<16xi1>
        %reduce_sum3A_134 = tpu.scan <sum>, %scan3A_131 masked %reduce_sum3A_133 : vector<16xf32>, vector<16xi1> -> vector<16xf32>
        %reduce_sum3A_135 = vector.extract %reduce_sum3A_134[15] : f32 from vector<16xf32>
        %gt3A = arith.cmpf ogt, %reduce_sum3A_135, %scan3A_123 : f32
        %select_n3A = arith.select %gt3A, %reduce_sum3A_135, %scan3A_123 : f32
        %mul3A_136 = arith.constant 16 : i32
        %mul3A_137 = arith.muli %add3A_89, %mul3A_136 : i32
        %add3A_138 = arith.addi %add3A_4, %mul3A_137 : i32
        %add3A_139 = arith.addi %add3A_138, %scan3A_122 : i32
        %select_n3A_140 = arith.select %gt3A, %add3A_139, %scan3A_124 : i32
        scf.yield %select_n3A, %select_n3A_140 : f32, i32
      }
      %scan3A_114 = arith.constant 16 : i32
      %add3A_115 = arith.constant 2 : i32
      %add3A_116 = arith.addi %add3A_89, %add3A_115 : i32
      %lt3A_117 = arith.constant 4 : i32
      %lt3A_118 = arith.cmpi slt, %add3A_116, %lt3A_117 : i32
      %convert_element_type3A_119 = arith.extui %lt3A_118 : i1 to i32
      %cond3A_120 = arith.constant 0 : i32
      %cond3A_121 = arith.cmpi ne, %convert_element_type3A_119, %cond3A_120 : i32
      scf.if %cond3A_121 {
        %add3A_122 = arith.constant 2 : i32
        %add3A_123 = arith.addi %add3A_89, %add3A_122 : i32
        %mul3A_124 = arith.constant 16 : i32
        %mul3A_125 = arith.muli %add3A_123, %mul3A_124 : i32
        %add3A_126 = arith.addi %add3A_4, %mul3A_125 : i32
        %dma_start3A_127 = arith.constant 1 : i32
        %dma_start3A_128 = arith.constant 1 : i32
        %dma_start3A_129 = arith.constant 0 : i32
        %dma_start3A_130 = arith.constant 0 : i32
        %dma_start3A_131 = tpu.memref_slice %arg5[%dma_start3A_127, %dma_start3A_129, %dma_start3A_130] : memref<2x16x2048xf32, #tpu.memory_space<vmem>> -> memref<1x16x2048xf32, #tpu.memory_space<vmem>>
        %dma_start3A_132 = tpu.memref_squeeze %dma_start3A_131 : memref<1x16x2048xf32, #tpu.memory_space<vmem>> -> memref<16x2048xf32, #tpu.memory_space<vmem>>
        %dma_start3A_133 = arith.constant 0 : i32
        %dma_start3A_134 = tpu.memref_slice %arg2[%add3A_126, %dma_start3A_133] : memref<32768x2048xf32, #tpu.memory_space<hbm>> -> memref<16x2048xf32, #tpu.memory_space<hbm>>
        %dma_start3A_135 = tpu.memref_slice %arg8[%dma_start3A_128] : memref<2x!tpu.dma_semaphore, #tpu.memory_space<semaphore_mem>> -> memref<1x!tpu.dma_semaphore, #tpu.memory_space<semaphore_mem>>
        %dma_start3A_136 = tpu.memref_squeeze %dma_start3A_135 : memref<1x!tpu.dma_semaphore, #tpu.memory_space<semaphore_mem>> -> memref<!tpu.dma_semaphore, #tpu.memory_space<semaphore_mem>>
        %dma_start3A_137 = arith.constant 0 : i32
        %dma_start3A_138 = arith.constant 0 : i32
        %dma_start3A_139 = tpu.memref_slice %arg5[%dma_start3A_127, %dma_start3A_137, %dma_start3A_138] : memref<2x16x2048xf32, #tpu.memory_space<vmem>> -> memref<1x16x2048xf32, #tpu.memory_space<vmem>>
        %dma_start3A_140 = tpu.memref_squeeze %dma_start3A_139 : memref<1x16x2048xf32, #tpu.memory_space<vmem>> -> memref<16x2048xf32, #tpu.memory_space<vmem>>
        %dma_start3A_141 = arith.constant 0 : i32
        %dma_start3A_142 = tpu.memref_slice %arg2[%add3A_126, %dma_start3A_141] : memref<32768x2048xf32, #tpu.memory_space<hbm>> -> memref<16x2048xf32, #tpu.memory_space<hbm>>
        tpu.enqueue_dma source(%dma_start3A_142 : memref<16x2048xf32, #tpu.memory_space<hbm>>) target(%dma_start3A_140 : memref<16x2048xf32, #tpu.memory_space<vmem>>) target_semaphore(%dma_start3A_136 : memref<!tpu.dma_semaphore, #tpu.memory_space<semaphore_mem>>)
      } else {
      }
      scf.yield %scan3A_113#0, %scan3A_113#1 : f32, i32
    }
    %scan3A_46 = arith.constant 2 : i32
    %broadcast_in_dim3A = vector.broadcast %scan3A_45#0 : f32 to vector<16xf32>
    %swap3A = arith.constant 0 : index
    %swap3A_47 = tpu.vector_load %arg6[%swap3A] {strides = array<i32>} : memref<16xf32, #tpu.memory_space<vmem>>, vector<16xf32>,
    tpu.vector_store %arg6[%swap3A], %broadcast_in_dim3A {strides = array<i32>} : memref<16xf32, #tpu.memory_space<vmem>>, vector<16xf32>,
    %broadcast_in_dim3A_48 = vector.broadcast %scan3A_45#1 : i32 to vector<16xi32>
    %swap3A_49 = arith.constant 0 : index
    %swap3A_50 = tpu.vector_load %arg7[%swap3A_49] {strides = array<i32>} : memref<16xi32, #tpu.memory_space<vmem>>, vector<16xi32>,
    tpu.vector_store %arg7[%swap3A_49], %broadcast_in_dim3A_48 {strides = array<i32>} : memref<16xi32, #tpu.memory_space<vmem>>, vector<16xi32>,
    "tpu.region"() ({
      %run_scoped3A = tpu.sem_alloc : memref<!tpu.dma_semaphore, #tpu.memory_space<semaphore_mem>>
      %dma_start3A_51 = arith.constant 0 : i32
      %dma_start3A_52 = tpu.memref_slice %arg3[%add3A, %dma_start3A_51] : memref<32x16xf32, #tpu.memory_space<hbm>> -> memref<1x16xf32, #tpu.memory_space<hbm>>
      %dma_start3A_53 = tpu.memref_squeeze %dma_start3A_52 : memref<1x16xf32, #tpu.memory_space<hbm>> -> memref<16xf32, #tpu.memory_space<hbm>>
      %dma_start3A_54 = arith.constant 0 : i32
      %dma_start3A_55 = tpu.memref_slice %arg3[%add3A, %dma_start3A_54] : memref<32x16xf32, #tpu.memory_space<hbm>> -> memref<1x16xf32, #tpu.memory_space<hbm>>
      %dma_start3A_56 = tpu.memref_squeeze %dma_start3A_55 : memref<1x16xf32, #tpu.memory_space<hbm>> -> memref<16xf32, #tpu.memory_space<hbm>>
      tpu.enqueue_dma source(%arg6 : memref<16xf32, #tpu.memory_space<vmem>>) target(%dma_start3A_56 : memref<16xf32, #tpu.memory_space<hbm>>) target_semaphore(%run_scoped3A : memref<!tpu.dma_semaphore, #tpu.memory_space<semaphore_mem>>)
      %dma_wait3A = arith.constant 0 : i32
      %dma_wait3A_57 = tpu.memref_slice %arg3[%add3A, %dma_wait3A] : memref<32x16xf32, #tpu.memory_space<hbm>> -> memref<1x16xf32, #tpu.memory_space<hbm>>
      %dma_wait3A_58 = tpu.memref_squeeze %dma_wait3A_57 : memref<1x16xf32, #tpu.memory_space<hbm>> -> memref<16xf32, #tpu.memory_space<hbm>>
      %dma_wait3A_59 = arith.constant 0 : i32
      %dma_wait3A_60 = tpu.memref_slice %arg3[%add3A, %dma_wait3A_59] : memref<32x16xf32, #tpu.memory_space<hbm>> -> memref<1x16xf32, #tpu.memory_space<hbm>>
      %dma_wait3A_61 = tpu.memref_squeeze %dma_wait3A_60 : memref<1x16xf32, #tpu.memory_space<hbm>> -> memref<16xf32, #tpu.memory_space<hbm>>
      tpu.wait_dma2 semaphore(%run_scoped3A : memref<!tpu.dma_semaphore, #tpu.memory_space<semaphore_mem>>) src(%arg6 : memref<16xf32, #tpu.memory_space<vmem>>) dst(%dma_wait3A_61 : memref<16xf32, #tpu.memory_space<hbm>>)
      tpu.yield
    }) : () -> ()
    "tpu.region"() ({
      %run_scoped3A = tpu.sem_alloc : memref<!tpu.dma_semaphore, #tpu.memory_space<semaphore_mem>>
      %dma_start3A_51 = arith.constant 0 : i32
      %dma_start3A_52 = tpu.memref_slice %arg4[%add3A, %dma_start3A_51] : memref<32x16xi32, #tpu.memory_space<hbm>> -> memref<1x16xi32, #tpu.memory_space<hbm>>
      %dma_start3A_53 = tpu.memref_squeeze %dma_start3A_52 : memref<1x16xi32, #tpu.memory_space<hbm>> -> memref<16xi32, #tpu.memory_space<hbm>>
      %dma_start3A_54 = arith.constant 0 : i32
      %dma_start3A_55 = tpu.memref_slice %arg4[%add3A, %dma_start3A_54] : memref<32x16xi32, #tpu.memory_space<hbm>> -> memref<1x16xi32, #tpu.memory_space<hbm>>
      %dma_start3A_56 = tpu.memref_squeeze %dma_start3A_55 : memref<1x16xi32, #tpu.memory_space<hbm>> -> memref<16xi32, #tpu.memory_space<hbm>>
      tpu.enqueue_dma source(%arg7 : memref<16xi32, #tpu.memory_space<vmem>>) target(%dma_start3A_56 : memref<16xi32, #tpu.memory_space<hbm>>) target_semaphore(%run_scoped3A : memref<!tpu.dma_semaphore, #tpu.memory_space<semaphore_mem>>)
      %dma_wait3A = arith.constant 0 : i32
      %dma_wait3A_57 = tpu.memref_slice %arg4[%add3A, %dma_wait3A] : memref<32x16xi32, #tpu.memory_space<hbm>> -> memref<1x16xi32, #tpu.memory_space<hbm>>
      %dma_wait3A_58 = tpu.memref_squeeze %dma_wait3A_57 : memref<1x16xi32, #tpu.memory_space<hbm>> -> memref<16xi32, #tpu.memory_space<hbm>>
      %dma_wait3A_59 = arith.constant 0 : i32
      %dma_wait3A_60 = tpu.memref_slice %arg4[%add3A, %dma_wait3A_59] : memref<32x16xi32, #tpu.memory_space<hbm>> -> memref<1x16xi32, #tpu.memory_space<hbm>>
      %dma_wait3A_61 = tpu.memref_squeeze %dma_wait3A_60 : memref<1x16xi32, #tpu.memory_space<hbm>> -> memref<16xi32, #tpu.memory_space<hbm>>
      tpu.wait_dma2 semaphore(%run_scoped3A : memref<!tpu.dma_semaphore, #tpu.memory_space<semaphore_mem>>) src(%arg7 : memref<16xi32, #tpu.memory_space<vmem>>) dst(%dma_wait3A_61 : memref<16xi32, #tpu.memory_space<hbm>>)
      tpu.yield
    }) : () -> ()
    return
  }
}

module attributes {stable_mosaic.version = 14 : i64} {
  func.func @_tc_body(%arg0: i32, %arg1: memref<32768x2048xf32, #tpu.memory_space<any>>, %arg2: memref<1x1xf32, #tpu.memory_space<smem>>, %arg3: memref<1x1xi32, #tpu.memory_space<smem>>, %arg4: memref<8x256x2048xf32, #tpu.memory_space<vmem>>, %arg5: memref<8x!tpu.dma_semaphore, #tpu.memory_space<semaphore_mem>>) attributes {dimension_semantics = [#tpu.dimension_semantics<arbitrary>], iteration_bounds = array<i64: 120>, scalar_prefetch = 0 : i64, scratch_operands = 2 : i64, tpu.core_type = #tpu.core_type<tc>, window_params = [{}, {transform_indices = @transform_1, window_bounds = array<i64: 1, 1>}, {transform_indices = @transform_2, window_bounds = array<i64: 1, 1>}]} {
    %eq3A = arith.constant 0 : i32
    %eq3A_0 = arith.cmpi eq, %arg0, %eq3A : i32
    %convert_element_type3A = arith.extui %eq3A_0 : i1 to i32
    %cond3A = arith.constant 0 : i32
    %cond3A_1 = arith.cmpi ne, %convert_element_type3A, %cond3A : i32
    scf.if %cond3A_1 {
      %swap3A = arith.constant 0xFF800000 : f32
      %swap3A_32 = arith.constant 0 : index
      %swap3A_33 = arith.constant 0 : index
      %swap3A_34 = memref.load %arg2[%swap3A_32, %swap3A_33] : memref<1x1xf32, #tpu.memory_space<smem>>
      memref.store %swap3A, %arg2[%swap3A_32, %swap3A_33] : memref<1x1xf32, #tpu.memory_space<smem>>
      %swap3A_35 = arith.constant 0 : i32
      %swap3A_36 = arith.constant 0 : index
      %swap3A_37 = arith.constant 0 : index
      %swap3A_38 = memref.load %arg3[%swap3A_36, %swap3A_37] : memref<1x1xi32, #tpu.memory_space<smem>>
      memref.store %swap3A_35, %arg3[%swap3A_36, %swap3A_37] : memref<1x1xi32, #tpu.memory_space<smem>>
      %dma_start3A = arith.constant 0 : i32
      %dma_start3A_39 = arith.constant 0 : i32
      %dma_start3A_40 = tpu.memref_slice %arg5[%dma_start3A_39] : memref<8x!tpu.dma_semaphore, #tpu.memory_space<semaphore_mem>> -> memref<1x!tpu.dma_semaphore, #tpu.memory_space<semaphore_mem>>
      %dma_start3A_41 = tpu.memref_squeeze %dma_start3A_40 : memref<1x!tpu.dma_semaphore, #tpu.memory_space<semaphore_mem>> -> memref<!tpu.dma_semaphore, #tpu.memory_space<semaphore_mem>>
      %dma_start3A_42 = arith.constant 0 : i32
      %dma_start3A_43 = arith.constant 0 : i32
      %dma_start3A_44 = tpu.memref_slice %arg4[%dma_start3A, %dma_start3A_42, %dma_start3A_43] : memref<8x256x2048xf32, #tpu.memory_space<vmem>> -> memref<1x256x2048xf32, #tpu.memory_space<vmem>>
      %dma_start3A_45 = tpu.memref_squeeze %dma_start3A_44 : memref<1x256x2048xf32, #tpu.memory_space<vmem>> -> memref<256x2048xf32, #tpu.memory_space<vmem>>
      %dma_start3A_46 = arith.constant 0 : i32
      %dma_start3A_47 = arith.constant 0 : i32
      %dma_start3A_48 = tpu.memref_slice %arg1[%dma_start3A_46, %dma_start3A_47] : memref<32768x2048xf32, #tpu.memory_space<any>> -> memref<256x2048xf32, #tpu.memory_space<any>>
      tpu.enqueue_dma source(%dma_start3A_48 : memref<256x2048xf32, #tpu.memory_space<any>>) target(%dma_start3A_45 : memref<256x2048xf32, #tpu.memory_space<vmem>>) target_semaphore(%dma_start3A_41 : memref<!tpu.dma_semaphore, #tpu.memory_space<semaphore_mem>>)
      %dma_start3A_49 = arith.constant 1 : i32
      %dma_start3A_50 = arith.constant 1 : i32
      %dma_start3A_51 = tpu.memref_slice %arg5[%dma_start3A_50] : memref<8x!tpu.dma_semaphore, #tpu.memory_space<semaphore_mem>> -> memref<1x!tpu.dma_semaphore, #tpu.memory_space<semaphore_mem>>
      %dma_start3A_52 = tpu.memref_squeeze %dma_start3A_51 : memref<1x!tpu.dma_semaphore, #tpu.memory_space<semaphore_mem>> -> memref<!tpu.dma_semaphore, #tpu.memory_space<semaphore_mem>>
      %dma_start3A_53 = arith.constant 0 : i32
      %dma_start3A_54 = arith.constant 0 : i32
      %dma_start3A_55 = tpu.memref_slice %arg4[%dma_start3A_49, %dma_start3A_53, %dma_start3A_54] : memref<8x256x2048xf32, #tpu.memory_space<vmem>> -> memref<1x256x2048xf32, #tpu.memory_space<vmem>>
      %dma_start3A_56 = tpu.memref_squeeze %dma_start3A_55 : memref<1x256x2048xf32, #tpu.memory_space<vmem>> -> memref<256x2048xf32, #tpu.memory_space<vmem>>
      %dma_start3A_57 = arith.constant 256 : i32
      %dma_start3A_58 = arith.constant 0 : i32
      %dma_start3A_59 = tpu.memref_slice %arg1[%dma_start3A_57, %dma_start3A_58] : memref<32768x2048xf32, #tpu.memory_space<any>> -> memref<256x2048xf32, #tpu.memory_space<any>>
      tpu.enqueue_dma source(%dma_start3A_59 : memref<256x2048xf32, #tpu.memory_space<any>>) target(%dma_start3A_56 : memref<256x2048xf32, #tpu.memory_space<vmem>>) target_semaphore(%dma_start3A_52 : memref<!tpu.dma_semaphore, #tpu.memory_space<semaphore_mem>>)
      %dma_start3A_60 = arith.constant 2 : i32
      %dma_start3A_61 = arith.constant 2 : i32
      %dma_start3A_62 = tpu.memref_slice %arg5[%dma_start3A_61] : memref<8x!tpu.dma_semaphore, #tpu.memory_space<semaphore_mem>> -> memref<1x!tpu.dma_semaphore, #tpu.memory_space<semaphore_mem>>
      %dma_start3A_63 = tpu.memref_squeeze %dma_start3A_62 : memref<1x!tpu.dma_semaphore, #tpu.memory_space<semaphore_mem>> -> memref<!tpu.dma_semaphore, #tpu.memory_space<semaphore_mem>>
      %dma_start3A_64 = arith.constant 0 : i32
      %dma_start3A_65 = arith.constant 0 : i32
      %dma_start3A_66 = tpu.memref_slice %arg4[%dma_start3A_60, %dma_start3A_64, %dma_start3A_65] : memref<8x256x2048xf32, #tpu.memory_space<vmem>> -> memref<1x256x2048xf32, #tpu.memory_space<vmem>>
      %dma_start3A_67 = tpu.memref_squeeze %dma_start3A_66 : memref<1x256x2048xf32, #tpu.memory_space<vmem>> -> memref<256x2048xf32, #tpu.memory_space<vmem>>
      %dma_start3A_68 = arith.constant 512 : i32
      %dma_start3A_69 = arith.constant 0 : i32
      %dma_start3A_70 = tpu.memref_slice %arg1[%dma_start3A_68, %dma_start3A_69] : memref<32768x2048xf32, #tpu.memory_space<any>> -> memref<256x2048xf32, #tpu.memory_space<any>>
      tpu.enqueue_dma source(%dma_start3A_70 : memref<256x2048xf32, #tpu.memory_space<any>>) target(%dma_start3A_67 : memref<256x2048xf32, #tpu.memory_space<vmem>>) target_semaphore(%dma_start3A_63 : memref<!tpu.dma_semaphore, #tpu.memory_space<semaphore_mem>>)
      %dma_start3A_71 = arith.constant 3 : i32
      %dma_start3A_72 = arith.constant 3 : i32
      %dma_start3A_73 = tpu.memref_slice %arg5[%dma_start3A_72] : memref<8x!tpu.dma_semaphore, #tpu.memory_space<semaphore_mem>> -> memref<1x!tpu.dma_semaphore, #tpu.memory_space<semaphore_mem>>
      %dma_start3A_74 = tpu.memref_squeeze %dma_start3A_73 : memref<1x!tpu.dma_semaphore, #tpu.memory_space<semaphore_mem>> -> memref<!tpu.dma_semaphore, #tpu.memory_space<semaphore_mem>>
      %dma_start3A_75 = arith.constant 0 : i32
      %dma_start3A_76 = arith.constant 0 : i32
      %dma_start3A_77 = tpu.memref_slice %arg4[%dma_start3A_71, %dma_start3A_75, %dma_start3A_76] : memref<8x256x2048xf32, #tpu.memory_space<vmem>> -> memref<1x256x2048xf32, #tpu.memory_space<vmem>>
      %dma_start3A_78 = tpu.memref_squeeze %dma_start3A_77 : memref<1x256x2048xf32, #tpu.memory_space<vmem>> -> memref<256x2048xf32, #tpu.memory_space<vmem>>
      %dma_start3A_79 = arith.constant 768 : i32
      %dma_start3A_80 = arith.constant 0 : i32
      %dma_start3A_81 = tpu.memref_slice %arg1[%dma_start3A_79, %dma_start3A_80] : memref<32768x2048xf32, #tpu.memory_space<any>> -> memref<256x2048xf32, #tpu.memory_space<any>>
      tpu.enqueue_dma source(%dma_start3A_81 : memref<256x2048xf32, #tpu.memory_space<any>>) target(%dma_start3A_78 : memref<256x2048xf32, #tpu.memory_space<vmem>>) target_semaphore(%dma_start3A_74 : memref<!tpu.dma_semaphore, #tpu.memory_space<semaphore_mem>>)
      %dma_start3A_82 = arith.constant 4 : i32
      %dma_start3A_83 = arith.constant 4 : i32
      %dma_start3A_84 = tpu.memref_slice %arg5[%dma_start3A_83] : memref<8x!tpu.dma_semaphore, #tpu.memory_space<semaphore_mem>> -> memref<1x!tpu.dma_semaphore, #tpu.memory_space<semaphore_mem>>
      %dma_start3A_85 = tpu.memref_squeeze %dma_start3A_84 : memref<1x!tpu.dma_semaphore, #tpu.memory_space<semaphore_mem>> -> memref<!tpu.dma_semaphore, #tpu.memory_space<semaphore_mem>>
      %dma_start3A_86 = arith.constant 0 : i32
      %dma_start3A_87 = arith.constant 0 : i32
      %dma_start3A_88 = tpu.memref_slice %arg4[%dma_start3A_82, %dma_start3A_86, %dma_start3A_87] : memref<8x256x2048xf32, #tpu.memory_space<vmem>> -> memref<1x256x2048xf32, #tpu.memory_space<vmem>>
      %dma_start3A_89 = tpu.memref_squeeze %dma_start3A_88 : memref<1x256x2048xf32, #tpu.memory_space<vmem>> -> memref<256x2048xf32, #tpu.memory_space<vmem>>
      %dma_start3A_90 = arith.constant 1024 : i32
      %dma_start3A_91 = arith.constant 0 : i32
      %dma_start3A_92 = tpu.memref_slice %arg1[%dma_start3A_90, %dma_start3A_91] : memref<32768x2048xf32, #tpu.memory_space<any>> -> memref<256x2048xf32, #tpu.memory_space<any>>
      tpu.enqueue_dma source(%dma_start3A_92 : memref<256x2048xf32, #tpu.memory_space<any>>) target(%dma_start3A_89 : memref<256x2048xf32, #tpu.memory_space<vmem>>) target_semaphore(%dma_start3A_85 : memref<!tpu.dma_semaphore, #tpu.memory_space<semaphore_mem>>)
      %dma_start3A_93 = arith.constant 5 : i32
      %dma_start3A_94 = arith.constant 5 : i32
      %dma_start3A_95 = tpu.memref_slice %arg5[%dma_start3A_94] : memref<8x!tpu.dma_semaphore, #tpu.memory_space<semaphore_mem>> -> memref<1x!tpu.dma_semaphore, #tpu.memory_space<semaphore_mem>>
      %dma_start3A_96 = tpu.memref_squeeze %dma_start3A_95 : memref<1x!tpu.dma_semaphore, #tpu.memory_space<semaphore_mem>> -> memref<!tpu.dma_semaphore, #tpu.memory_space<semaphore_mem>>
      %dma_start3A_97 = arith.constant 0 : i32
      %dma_start3A_98 = arith.constant 0 : i32
      %dma_start3A_99 = tpu.memref_slice %arg4[%dma_start3A_93, %dma_start3A_97, %dma_start3A_98] : memref<8x256x2048xf32, #tpu.memory_space<vmem>> -> memref<1x256x2048xf32, #tpu.memory_space<vmem>>
      %dma_start3A_100 = tpu.memref_squeeze %dma_start3A_99 : memref<1x256x2048xf32, #tpu.memory_space<vmem>> -> memref<256x2048xf32, #tpu.memory_space<vmem>>
      %dma_start3A_101 = arith.constant 1280 : i32
      %dma_start3A_102 = arith.constant 0 : i32
      %dma_start3A_103 = tpu.memref_slice %arg1[%dma_start3A_101, %dma_start3A_102] : memref<32768x2048xf32, #tpu.memory_space<any>> -> memref<256x2048xf32, #tpu.memory_space<any>>
      tpu.enqueue_dma source(%dma_start3A_103 : memref<256x2048xf32, #tpu.memory_space<any>>) target(%dma_start3A_100 : memref<256x2048xf32, #tpu.memory_space<vmem>>) target_semaphore(%dma_start3A_96 : memref<!tpu.dma_semaphore, #tpu.memory_space<semaphore_mem>>)
      %dma_start3A_104 = arith.constant 6 : i32
      %dma_start3A_105 = arith.constant 6 : i32
      %dma_start3A_106 = tpu.memref_slice %arg5[%dma_start3A_105] : memref<8x!tpu.dma_semaphore, #tpu.memory_space<semaphore_mem>> -> memref<1x!tpu.dma_semaphore, #tpu.memory_space<semaphore_mem>>
      %dma_start3A_107 = tpu.memref_squeeze %dma_start3A_106 : memref<1x!tpu.dma_semaphore, #tpu.memory_space<semaphore_mem>> -> memref<!tpu.dma_semaphore, #tpu.memory_space<semaphore_mem>>
      %dma_start3A_108 = arith.constant 0 : i32
      %dma_start3A_109 = arith.constant 0 : i32
      %dma_start3A_110 = tpu.memref_slice %arg4[%dma_start3A_104, %dma_start3A_108, %dma_start3A_109] : memref<8x256x2048xf32, #tpu.memory_space<vmem>> -> memref<1x256x2048xf32, #tpu.memory_space<vmem>>
      %dma_start3A_111 = tpu.memref_squeeze %dma_start3A_110 : memref<1x256x2048xf32, #tpu.memory_space<vmem>> -> memref<256x2048xf32, #tpu.memory_space<vmem>>
      %dma_start3A_112 = arith.constant 1536 : i32
      %dma_start3A_113 = arith.constant 0 : i32
      %dma_start3A_114 = tpu.memref_slice %arg1[%dma_start3A_112, %dma_start3A_113] : memref<32768x2048xf32, #tpu.memory_space<any>> -> memref<256x2048xf32, #tpu.memory_space<any>>
      tpu.enqueue_dma source(%dma_start3A_114 : memref<256x2048xf32, #tpu.memory_space<any>>) target(%dma_start3A_111 : memref<256x2048xf32, #tpu.memory_space<vmem>>) target_semaphore(%dma_start3A_107 : memref<!tpu.dma_semaphore, #tpu.memory_space<semaphore_mem>>)
      %dma_start3A_115 = arith.constant 7 : i32
      %dma_start3A_116 = arith.constant 7 : i32
      %dma_start3A_117 = tpu.memref_slice %arg5[%dma_start3A_116] : memref<8x!tpu.dma_semaphore, #tpu.memory_space<semaphore_mem>> -> memref<1x!tpu.dma_semaphore, #tpu.memory_space<semaphore_mem>>
      %dma_start3A_118 = tpu.memref_squeeze %dma_start3A_117 : memref<1x!tpu.dma_semaphore, #tpu.memory_space<semaphore_mem>> -> memref<!tpu.dma_semaphore, #tpu.memory_space<semaphore_mem>>
      %dma_start3A_119 = arith.constant 0 : i32
      %dma_start3A_120 = arith.constant 0 : i32
      %dma_start3A_121 = tpu.memref_slice %arg4[%dma_start3A_115, %dma_start3A_119, %dma_start3A_120] : memref<8x256x2048xf32, #tpu.memory_space<vmem>> -> memref<1x256x2048xf32, #tpu.memory_space<vmem>>
      %dma_start3A_122 = tpu.memref_squeeze %dma_start3A_121 : memref<1x256x2048xf32, #tpu.memory_space<vmem>> -> memref<256x2048xf32, #tpu.memory_space<vmem>>
      %dma_start3A_123 = arith.constant 1792 : i32
      %dma_start3A_124 = arith.constant 0 : i32
      %dma_start3A_125 = tpu.memref_slice %arg1[%dma_start3A_123, %dma_start3A_124] : memref<32768x2048xf32, #tpu.memory_space<any>> -> memref<256x2048xf32, #tpu.memory_space<any>>
      tpu.enqueue_dma source(%dma_start3A_125 : memref<256x2048xf32, #tpu.memory_space<any>>) target(%dma_start3A_122 : memref<256x2048xf32, #tpu.memory_space<vmem>>) target_semaphore(%dma_start3A_118 : memref<!tpu.dma_semaphore, #tpu.memory_space<semaphore_mem>>)
    } else {
    }
    %rem3A = arith.constant 8 : i32
    %rem3A_2 = arith.remsi %arg0, %rem3A : i32
    %mul3A = arith.constant 256 : i32
    %mul3A_3 = arith.muli %arg0, %mul3A : i32
    %dma_wait3A = tpu.memref_slice %arg5[%rem3A_2] : memref<8x!tpu.dma_semaphore, #tpu.memory_space<semaphore_mem>> -> memref<1x!tpu.dma_semaphore, #tpu.memory_space<semaphore_mem>>
    %dma_wait3A_4 = tpu.memref_squeeze %dma_wait3A : memref<1x!tpu.dma_semaphore, #tpu.memory_space<semaphore_mem>> -> memref<!tpu.dma_semaphore, #tpu.memory_space<semaphore_mem>>
    %dma_wait3A_5 = arith.constant 0 : i32
    %dma_wait3A_6 = arith.constant 0 : i32
    %dma_wait3A_7 = tpu.memref_slice %arg4[%rem3A_2, %dma_wait3A_5, %dma_wait3A_6] : memref<8x256x2048xf32, #tpu.memory_space<vmem>> -> memref<1x256x2048xf32, #tpu.memory_space<vmem>>
    %dma_wait3A_8 = tpu.memref_squeeze %dma_wait3A_7 : memref<1x256x2048xf32, #tpu.memory_space<vmem>> -> memref<256x2048xf32, #tpu.memory_space<vmem>>
    %dma_wait3A_9 = arith.constant 0 : i32
    %dma_wait3A_10 = tpu.memref_slice %arg1[%mul3A_3, %dma_wait3A_9] : memref<32768x2048xf32, #tpu.memory_space<any>> -> memref<256x2048xf32, #tpu.memory_space<any>>
    tpu.wait_dma2 semaphore(%dma_wait3A_4 : memref<!tpu.dma_semaphore, #tpu.memory_space<semaphore_mem>>) src(%dma_wait3A_10 : memref<256x2048xf32, #tpu.memory_space<any>>) dst(%dma_wait3A_8 : memref<256x2048xf32, #tpu.memory_space<vmem>>)
    %get3A = arith.index_cast %rem3A_2 : i32 to index
    %get3A_11 = arith.constant 0 : index
    %get3A_12 = arith.constant 0 : index
    %get3A_13 = vector.load %arg4[%get3A, %get3A_11, %get3A_12] : memref<8x256x2048xf32, #tpu.memory_space<vmem>>, vector<1x256x2048xf32>
    %get3A_14 = vector.shape_cast %get3A_13 : vector<1x256x2048xf32> to vector<256x2048xf32>
    %mul3A_15 = arith.mulf %get3A_14, %get3A_14 : vector<256x2048xf32>
    %reduce_sum3A = arith.constant dense<0.000000e+00> : vector<256xf32>
    %reduce_sum3A_16 = vector.multi_reduction <add>, %mul3A_15, %reduce_sum3A [1] : vector<256x2048xf32> to vector<256xf32>
    %broadcast_in_dim3A = vector.shape_cast %reduce_sum3A_16 : vector<256xf32> to vector<256x1xf32>
    %reduce_max3A = vector.shape_cast %broadcast_in_dim3A : vector<256x1xf32> to vector<1x256x1xf32>
    %reduce_max3A_17 = arith.constant dense<0xFF800000> : vector<1xf32>
    %reduce_max3A_18 = vector.multi_reduction <maximumf>, %reduce_max3A, %reduce_max3A_17 [1, 2] : vector<1x256x1xf32> to vector<1xf32>
    %reduce_max3A_19 = vector.shape_cast %reduce_max3A_18 : vector<1xf32> to vector<1x1x1xf32>
    %reduce_max3A_20 = vector.extract %reduce_max3A_19[0, 0, 0] : f32 from vector<1x1x1xf32>
    %add3A = arith.constant 8 : i32
    %add3A_21 = arith.addi %arg0, %add3A : i32
    %lt3A = arith.constant 120 : i32
    %lt3A_22 = arith.cmpi slt, %add3A_21, %lt3A : i32
    %convert_element_type3A_23 = arith.extui %lt3A_22 : i1 to i32
    %cond3A_24 = arith.constant 0 : i32
    %cond3A_25 = arith.cmpi ne, %convert_element_type3A_23, %cond3A_24 : i32
    scf.if %cond3A_25 {
      %add3A_32 = arith.constant 8 : i32
      %add3A_33 = arith.addi %arg0, %add3A_32 : i32
      %mul3A_34 = arith.constant 256 : i32
      %mul3A_35 = arith.muli %add3A_33, %mul3A_34 : i32
      %dma_start3A = tpu.memref_slice %arg5[%rem3A_2] : memref<8x!tpu.dma_semaphore, #tpu.memory_space<semaphore_mem>> -> memref<1x!tpu.dma_semaphore, #tpu.memory_space<semaphore_mem>>
      %dma_start3A_36 = tpu.memref_squeeze %dma_start3A : memref<1x!tpu.dma_semaphore, #tpu.memory_space<semaphore_mem>> -> memref<!tpu.dma_semaphore, #tpu.memory_space<semaphore_mem>>
      %dma_start3A_37 = arith.constant 0 : i32
      %dma_start3A_38 = arith.constant 0 : i32
      %dma_start3A_39 = tpu.memref_slice %arg4[%rem3A_2, %dma_start3A_37, %dma_start3A_38] : memref<8x256x2048xf32, #tpu.memory_space<vmem>> -> memref<1x256x2048xf32, #tpu.memory_space<vmem>>
      %dma_start3A_40 = tpu.memref_squeeze %dma_start3A_39 : memref<1x256x2048xf32, #tpu.memory_space<vmem>> -> memref<256x2048xf32, #tpu.memory_space<vmem>>
      %dma_start3A_41 = arith.constant 0 : i32
      %dma_start3A_42 = tpu.memref_slice %arg1[%mul3A_35, %dma_start3A_41] : memref<32768x2048xf32, #tpu.memory_space<any>> -> memref<256x2048xf32, #tpu.memory_space<any>>
      tpu.enqueue_dma source(%dma_start3A_42 : memref<256x2048xf32, #tpu.memory_space<any>>) target(%dma_start3A_40 : memref<256x2048xf32, #tpu.memory_space<vmem>>) target_semaphore(%dma_start3A_36 : memref<!tpu.dma_semaphore, #tpu.memory_space<semaphore_mem>>)
    } else {
    }
    %get3A_26 = arith.constant 0 : index
    %get3A_27 = arith.constant 0 : index
    %get3A_28 = memref.load %arg2[%get3A_26, %get3A_27] : memref<1x1xf32, #tpu.memory_space<smem>>
    %gt3A = arith.cmpf ogt, %reduce_max3A_20, %get3A_28 : f32
    %convert_element_type3A_29 = arith.extui %gt3A : i1 to i32
    %cond3A_30 = arith.constant 0 : i32
    %cond3A_31 = arith.cmpi ne, %convert_element_type3A_29, %cond3A_30 : i32
    scf.if %cond3A_31 {
      %swap3A = arith.constant 0 : index
      %swap3A_32 = arith.constant 0 : index
      %swap3A_33 = memref.load %arg2[%swap3A, %swap3A_32] : memref<1x1xf32, #tpu.memory_space<smem>>
      memref.store %reduce_max3A_20, %arg2[%swap3A, %swap3A_32] : memref<1x1xf32, #tpu.memory_space<smem>>
      %iota3A = tpu.iota {dimensions = array<i32: 0>} : vector<256x1xi32>
      %mul3A_34 = arith.constant 256 : i32
      %mul3A_35 = arith.muli %arg0, %mul3A_34 : i32
      %eq3A_36 = vector.broadcast %reduce_max3A_20 : f32 to vector<256x1xf32>
      %eq3A_37 = arith.cmpf oeq, %broadcast_in_dim3A, %eq3A_36 : vector<256x1xf32>
      %jit3A = arith.constant 256 : i32
      %broadcast_in_dim3A_38 = vector.broadcast %jit3A : i32 to vector<256x1xi32>
      %select_n3A = arith.select %eq3A_37, %iota3A, %broadcast_in_dim3A_38 : vector<256x1xi1>, vector<256x1xi32>
      %reduce_min3A = vector.shape_cast %select_n3A : vector<256x1xi32> to vector<1x256x1xi32>
      %reduce_min3A_39 = arith.constant dense<2147483647> : vector<1xi32>
      %reduce_min3A_40 = vector.multi_reduction <minsi>, %reduce_min3A, %reduce_min3A_39 [1, 2] : vector<1x256x1xi32> to vector<1xi32>
      %reduce_min3A_41 = vector.shape_cast %reduce_min3A_40 : vector<1xi32> to vector<1x1x1xi32>
      %reduce_min3A_42 = vector.extract %reduce_min3A_41[0, 0, 0] : i32 from vector<1x1x1xi32>
      %add3A_43 = arith.addi %mul3A_35, %reduce_min3A_42 : i32
      %swap3A_44 = arith.constant 0 : index
      %swap3A_45 = arith.constant 0 : index
      %swap3A_46 = memref.load %arg3[%swap3A_44, %swap3A_45] : memref<1x1xi32, #tpu.memory_space<smem>>
      memref.store %add3A_43, %arg3[%swap3A_44, %swap3A_45] : memref<1x1xi32, #tpu.memory_space<smem>>
    } else {
    }
    return
  }
  func.func @transform_1(%arg0: i32) -> (i32, i32) {
    %c0_i32 = arith.constant 0 : i32
    %c0_i32_0 = arith.constant 0 : i32
    %c0_i32_1 = arith.constant 0 : i32
    return %c0_i32, %c0_i32_0 : i32, i32
  }
  func.func @transform_2(%arg0: i32) -> (i32, i32) {
    %c0_i32 = arith.constant 0 : i32
    %c0_i32_0 = arith.constant 0 : i32
    %c0_i32_1 = arith.constant 0 : i32
    return %c0_i32, %c0_i32_0 : i32, i32
  }
}

module attributes {stable_mosaic.version = 14 : i64} {
  func.func @_combine_body(%arg0: memref<32768x2048xf32, #tpu.memory_space<any>>, %arg1: memref<1x1xf32, #tpu.memory_space<smem>>, %arg2: memref<1x1xi32, #tpu.memory_space<smem>>, %arg3: memref<32x16xf32, #tpu.memory_space<vmem>>, %arg4: memref<32x16xi32, #tpu.memory_space<vmem>>, %arg5: memref<1x2048xf32, #tpu.memory_space<vmem>>, %arg6: memref<!tpu.dma_semaphore, #tpu.memory_space<semaphore_mem>>, %arg7: memref<1xi32, #tpu.memory_space<smem>>) attributes {dimension_semantics = [], scalar_prefetch = 0 : i64, scratch_operands = 2 : i64, tpu.core_type = #tpu.core_type<tc>} {
    %get3A = arith.constant 0 : index
    %get3A_0 = arith.constant 0 : index
    %get3A_1 = vector.load %arg3[%get3A, %get3A_0] : memref<32x16xf32, #tpu.memory_space<vmem>>, vector<32x16xf32>
    %get3A_2 = arith.constant 0 : index
    %get3A_3 = arith.constant 0 : index
    %get3A_4 = vector.load %arg4[%get3A_2, %get3A_3] : memref<32x16xi32, #tpu.memory_space<vmem>>, vector<32x16xi32>
    %get3A_5 = arith.constant 0 : index
    %get3A_6 = arith.constant 0 : index
    %get3A_7 = memref.load %arg1[%get3A_5, %get3A_6] : memref<1x1xf32, #tpu.memory_space<smem>>
    %reduce_max3A = vector.shape_cast %get3A_1 : vector<32x16xf32> to vector<1x32x16xf32>
    %reduce_max3A_8 = arith.constant dense<0xFF800000> : vector<1xf32>
    %reduce_max3A_9 = vector.multi_reduction <maximumf>, %reduce_max3A, %reduce_max3A_8 [1, 2] : vector<1x32x16xf32> to vector<1xf32>
    %reduce_max3A_10 = vector.shape_cast %reduce_max3A_9 : vector<1xf32> to vector<1x1x1xf32>
    %reduce_max3A_11 = vector.extract %reduce_max3A_10[0, 0, 0] : f32 from vector<1x1x1xf32>
    %eq3A = vector.broadcast %reduce_max3A_11 : f32 to vector<32x16xf32>
    %eq3A_12 = arith.cmpf oeq, %get3A_1, %eq3A : vector<32x16xf32>
    %jit3A = arith.constant 2147483647 : i32
    %broadcast_in_dim3A = vector.broadcast %jit3A : i32 to vector<32x16xi32>
    %select_n3A = arith.select %eq3A_12, %get3A_4, %broadcast_in_dim3A : vector<32x16xi1>, vector<32x16xi32>
    %reduce_min3A = vector.shape_cast %select_n3A : vector<32x16xi32> to vector<1x32x16xi32>
    %reduce_min3A_13 = arith.constant dense<2147483647> : vector<1xi32>
    %reduce_min3A_14 = vector.multi_reduction <minsi>, %reduce_min3A, %reduce_min3A_13 [1, 2] : vector<1x32x16xi32> to vector<1xi32>
    %reduce_min3A_15 = vector.shape_cast %reduce_min3A_14 : vector<1xi32> to vector<1x1x1xi32>
    %reduce_min3A_16 = vector.extract %reduce_min3A_15[0, 0, 0] : i32 from vector<1x1x1xi32>
    %ge3A = arith.cmpf oge, %get3A_7, %reduce_max3A_11 : f32
    %get3A_17 = arith.constant 0 : index
    %get3A_18 = arith.constant 0 : index
    %get3A_19 = memref.load %arg2[%get3A_17, %get3A_18] : memref<1x1xi32, #tpu.memory_space<smem>>
    %select_n3A_20 = arith.select %ge3A, %get3A_19, %reduce_min3A_16 : i32
    %swap3A = arith.constant 0 : index
    %swap3A_21 = memref.load %arg7[%swap3A] : memref<1xi32, #tpu.memory_space<smem>>
    memref.store %select_n3A_20, %arg7[%swap3A] : memref<1xi32, #tpu.memory_space<smem>>
    %get3A_22 = arith.constant 0 : index
    %get3A_23 = memref.load %arg7[%get3A_22] : memref<1xi32, #tpu.memory_space<smem>>
    %dma_start3A = arith.constant 0 : i32
    %dma_start3A_24 = tpu.memref_slice %arg0[%get3A_23, %dma_start3A] : memref<32768x2048xf32, #tpu.memory_space<any>> -> memref<1x2048xf32, #tpu.memory_space<any>>
    tpu.enqueue_dma source(%dma_start3A_24 : memref<1x2048xf32, #tpu.memory_space<any>>) target(%arg5 : memref<1x2048xf32, #tpu.memory_space<vmem>>) target_semaphore(%arg6 : memref<!tpu.dma_semaphore, #tpu.memory_space<semaphore_mem>>)
    %get3A_25 = arith.constant 0 : index
    %get3A_26 = memref.load %arg7[%get3A_25] : memref<1xi32, #tpu.memory_space<smem>>
    %dma_wait3A = arith.constant 0 : i32
    %dma_wait3A_27 = tpu.memref_slice %arg0[%get3A_26, %dma_wait3A] : memref<32768x2048xf32, #tpu.memory_space<any>> -> memref<1x2048xf32, #tpu.memory_space<any>>
    tpu.wait_dma2 semaphore(%arg6 : memref<!tpu.dma_semaphore, #tpu.memory_space<semaphore_mem>>) src(%dma_wait3A_27 : memref<1x2048xf32, #tpu.memory_space<any>>) dst(%arg5 : memref<1x2048xf32, #tpu.memory_space<vmem>>)
    return
  }
}

</mosaic_0001>

<sc_bundles>
// kernel: kernel.5.cloned.1.call-start
scs
__scs_entry_jumppad:
0x0: {  	(pc) =	sbr.rel $0x88, $3  }
0x1: {  	(tag) =	ssettag $0x0;
	lr =	simm.s32 $0x1  }
0x2: {  	[smem:$0x3FA0] =	sst lr;
	_ =	strace $0xD0000000  }
0x3: {  	_ = 	snop  }
0x4: {  	_ = 	snop  }
0x5: {  	_ = 	snop  }
0x6: {  	_ = 	snop  }
0x7: {  	_ = 	snop  }
__scs_overlays_trampoline_lowered:
0x8: {  	[smem:$0x3FAF] =	sst s0  }
0x9: {  	[smem:$0x3FB0] =	sst s1  }
0xa: {  	[smem:$0x3FB1] =	sst s2  }
0xb: {  	[smem:$0x3FB2] =	sst s3  }
0xc: {  	[smem:$0x3FB3] =	sst s4  }
0xd: {  	[smem:$0x3FB4] =	sst s5  }
0xe: {  	[smem:$0x3FB5] =	sst s6  }
0xf: {  	[smem:$0x3FB6] =	sst s7  }
0x10: {  	[smem:$0x3FB7] =	sst s8  }
0x11: {  	[smem:$0x3FB8] =	sst s9;
	s0 =	simm.s32 @!p0 $0x0  }
0x12: {  	s1 =	sld [smem:$0x3F9E];
	s0 =	simm.s32 @p0 $0x1  }
0x13: {  	[smem:$0x3FB9] =	sst s0;
	s0 =	simm.s32 @!p1 $0x0  }
0x14: {  	s2 =	sld [smem:$0x3F9D];
	s0 =	simm.s32 @p1 $0x1  }
0x15: {  	[smem:$0x3FBA] =	sst s0;
	s0 =	simm.s32 @!p2 $0x0  }
0x16: {  	s3 =	sld [smem:$0x3FDB];
	s0 =	simm.s32 @p2 $0x1  }
0x17: {  	s4 =	simm.s32 $0x1BF5;
	[smem:$0x3FBC] =	sst s0  }
0x18: {  	s0 =	sld [smem:$0x3F9F];
	_ =	swait.ge [sflag:s4], $0x0  }
0x19: {  	s7 =	sld [smem:$0x3FA0]  }
0x1a: {  	s8 =	sadd.s32 $0xFFFFE003, lr  }
0x1b: {  	s9 =	sadd.s32 $0xFFFFFEF7, lr;
	s5 =	simm.s32 $0xFFFFFFFF;
	p2 =	slt.u32 s8, $0xFFFFF086  }
0x1c: {  	p1 =	slt.u32 s9, $0xF7A;
	s5 =	simm.s32 @!p2 $0x0  }
0x1d: {  	s5 =	simm.s32 @p1 $0x1;
	p0 =	seq.s32 s7, s2  }
0x1e: {  	s7 =	smul.u32 @!p0 $0xF7A, s2;
	p2 =	seq.s32 @!p0 s5, $0x0  }
0x1f: {  	s9 =	smul.u32 $0xF7A, s1;
	s8 =	simm.s32 @!p0 $0x1BF5;
	p2 =	por !p2, p0  }
0x20: {  	[sflag:s8] =	ssyncset.s32 @!p0 $0xFFFFF086;
	s6 =	sadd.s32 @!p0 s3, s7;
	s7 =	simm.s32 @!p0 $0x108  }
0x21: {  	s3 =	sadd.s32 s3, s9;
	s6 =	sadd.s32 @!p0 $0x88, s6;
	s7 =	simm.s32 @p2 $0x1082  }
0x22: {  	[simem:s7], [sflag:s8] =	dma.local @!p0 [hbm:s6], $0xF7A  }
0x23: {  	s9 =	sor.u32 $0xD0000000, s2;
	s6 =	simm.s32 $0x108;
	_ =	swait.ge @!p0 [sflag:s8], $0x0  }
0x24: {  	s3 =	sadd.s32 $0x88, s3;
	s6 =	simm.s32 @!p1 $0x1082;
	[sflag:s4] =	ssyncset.s32 $0xFFFFF086  }
0x25: {  	[simem:s6], [sflag:s4] =	dma.local [hbm:s3], $0xF7A  }
0x26: {  	[smem:$0x3FA0] =	sst s1;
	(tag) =	ssettag s2;
	_ =	strace s9  }
0x27: {  	s1 =	sld [smem:$0x3FB0]  }
0x28: {  	s2 =	sld [smem:$0x3FB1]  }
0x29: {  	s4 =	sld [smem:$0x3FB3]  }
0x2a: {  	p0 =	seq.s32 s5, $0x0;
	s5 =	sld [smem:$0x3FB4]  }
0x2b: {  	s6 =	sld [smem:$0x3FB5]  }
0x2c: {  	s7 =	sld [smem:$0x3FB6]  }
0x2d: {  	s3 =	simm.s32 $0x108;
	s8 =	sld [smem:$0x3FB7]  }
0x2e: {  	s3 =	simm.s32 @!p0 $0x1082;
	s9 =	sld [smem:$0x3FB8]  }
0x2f: {  	lr =	sadd.s32 s0, s3;
	s0 =	sld [smem:$0x3FAF]  }
0x30: {  	s3 =	sld [smem:$0x3FB2]  }
0x31: {  	[smem:$0x3FBB] =	sst s10  }
0x32: {  	s10 =	sld [smem:$0x3FB9];
	_ =	sdelay $0x3  }
0x33: {  	p0 =	seq.s32 s10, $0x1;
	s10 =	sld [smem:$0x3FBB];
	_ =	sdelay $0x3  }
0x34: {  	[smem:$0x3FBB] =	sst s10  }
0x35: {  	s10 =	sld [smem:$0x3FBA];
	_ =	sdelay $0x3  }
0x36: {  	p1 =	seq.s32 s10, $0x1;
	s10 =	sld [smem:$0x3FBB];
	_ =	sdelay $0x3  }
0x37: {  	[smem:$0x3FBB] =	sst s10  }
0x38: {  	s10 =	sld [smem:$0x3FBC]  }
0x39: {  	_ = 	snop;
	(pc) =	sbr.ind lr, $3  }
0x3a: {  	_ = 	snop  }
0x3b: {  	_ = 	snop  }
0x3c: {  	p2 =	seq.s32 s10, $0x1;
	s10 =	sld [smem:$0x3FBB]  }
0x3d: {  	_ =	shalt  }
0x3e: {  	_ =	shalt  }
0x3f: {  	_ =	shalt  }
0x40: {  	_ =	shalt  }
0x41: {  	_ =	shalt  }
0x42: {  	_ =	shalt  }
0x43: {  	_ =	shalt  }
0x44: {  	_ =	shalt  }
0x45: {  	_ =	shalt  }
0x46: {  	_ =	shalt  }
0x47: {  	_ =	shalt  }
0x48: {  	_ =	shalt  }
0x49: {  	_ =	shalt  }
0x4a: {  	_ =	shalt  }
0x4b: {  	_ =	shalt  }
0x4c: {  	_ =	shalt  }
0x4d: {  	_ =	shalt  }
0x4e: {  	_ =	shalt  }
0x4f: {  	_ =	shalt  }
0x50: {  	_ =	shalt  }
0x51: {  	_ =	shalt  }
0x52: {  	_ =	shalt  }
0x53: {  	_ =	shalt  }
0x54: {  	_ =	shalt  }
0x55: {  	_ =	shalt  }
0x56: {  	_ =	shalt  }
0x57: {  	_ =	shalt  }
0x58: {  	_ =	shalt  }
0x59: {  	_ =	shalt  }
0x5a: {  	_ =	shalt  }
0x5b: {  	_ =	shalt  }
0x5c: {  	_ =	shalt  }
0x5d: {  	_ =	shalt  }
0x5e: {  	_ =	shalt  }
0x5f: {  	_ =	shalt  }
0x60: {  	_ =	shalt  }
0x61: {  	_ =	shalt  }
0x62: {  	_ =	shalt  }
0x63: {  	_ =	shalt  }
0x64: {  	_ =	shalt  }
0x65: {  	_ =	shalt  }
0x66: {  	_ =	shalt  }
0x67: {  	_ =	shalt  }
0x68: {  	_ =	shalt  }
0x69: {  	_ =	shalt  }
0x6a: {  	_ =	shalt  }
0x6b: {  	_ =	shalt  }
0x6c: {  	_ =	shalt  }
0x6d: {  	_ =	shalt  }
0x6e: {  	_ =	shalt  }
0x6f: {  	_ =	shalt  }
0x70: {  	_ =	shalt  }
0x71: {  	_ =	shalt  }
0x72: {  	_ =	shalt  }
0x73: {  	_ =	shalt  }
0x74: {  	_ =	shalt  }
0x75: {  	_ =	shalt  }
0x76: {  	_ =	shalt  }
0x77: {  	_ =	shalt  }
0x78: {  	_ =	shalt  }
0x79: {  	_ =	shalt  }
0x7a: {  	_ =	shalt  }
0x7b: {  	_ =	shalt  }
0x7c: {  	_ =	shalt  }
0x7d: {  	_ =	shalt  }
0x7e: {  	_ =	shalt  }
0x7f: {  	_ =	shalt  }
0x80: {  	_ =	shalt  }
0x81: {  	_ =	shalt  }
0x82: {  	_ =	shalt  }
0x83: {  	_ =	shalt  }
0x84: {  	_ =	shalt  }
0x85: {  	_ =	shalt  }
0x86: {  	_ =	shalt  }
0x87: {  	_ =	shalt  }
.Lfunc_end0:
.L_simem_size_0:
called_computation_lowered:
.L_overlay_start_0:
0x88: {  	s2 =	sld [smem:$0x3FD9]  }
0x89: {  	s3 =	sld [smem:$0x3FFE];
	_ =	sdelay $0x1  }
0x8a: {  	s1 =	srdreg.scid  }
0x8b: {  	s0 =	sand.u32 $0x1, s1  }
0x8c: {  	s17 =	sshll.u32 s0, $0xA;
	s2 =	sadd.s32 s3, s2  }
0x8d: {  	s2 =	sadd.s32 s2, s17  }
0x8e: {  	[smem:$0x3FC7] =	sst s2  }
0x8f: {  	_ = 	snop  }
0x90: {  	s2 =	sld [smem:$0x3FC9];
	(tm) =	ssettm $0x1  }
0x91: {  	s18 =	sld [smem:$0x3FFB];
	_ =	sdelay $0x3  }
0x92: {  	_ =	strace s18  }
0x93: {  	s3 =	sld [smem:$0x3FFC];
	_ =	sdelay $0x3  }
0x94: {  	_ =	strace s3  }
0x95: {  	s3 =	sld [smem:$0x3FFD];
	_ =	sdelay $0x3  }
0x96: {  	_ =	strace s3  }
0x97: {  	_ =	strace $0x8FFFFFFF  }
0x98: {  	s19 =	sld [smem:$0x3FDB];
	_ =	sdelay $0x1  }
0x99: {  	s4 =	simm.s32 $_scs_section_size  }
0x9a: {  	s5 =	simm.s32 $_size__tile_overlayer_lowered;
	s6 =	simm.s32 $_tile_overlayer_lowered  }
0x9b: {  	s22 =	simm.s32 $0x1BFF;
	s21 =	sshll.u32 s6, $0x1;
	s3 =	sadd.s32 s4, s19  }
0x9c: {  	s7 =	simm.s32 $0x0;
	s20 =	sshll.u32 s5, $0x1;
	s5 =	sadd.s32 s21, s3  }
0x9d: {  	[timem:s7], [sflag:s22] =	dma.local [hbm:s5], s20  }
0x9e: {  	_ =	swait.ge [sflag:s22], s20  }
0x9f: {  	s4 =	ssub.s32 $0x0, s20;
	[sflag:s22] =	ssyncset.done $0x0  }
0xa0: {  	[sflag:s22] =	ssyncadd.s32 s4;
	_ =	sdelay $0x1  }
0xa1: {  	s23 =	simm.s32 $0x1B8B  }
0xa2: {  	_ =	swait.ge [sflag:s23], $0x1  }
0xa3: {  	[sflag:s23] =	ssyncset.done $0x0  }
0xa4: {  	s25 =	simm.s32 $0x1B8E;
	s24 =	sld [smem:$0x3FFE];
	[sflag:s23] =	ssyncadd.s32 $0xFFFFFFFF  }
0xa5: {  	s26 =	simm.s32 $execute0_lowered;
	[smem:$0x3FD2] =	sst s25  }
0xa6: {  	s5 =	sshll.u32 s26, $0x1;
	_ =	strace $0x80000046;
	[dreg:$0x1] =	wrdreg $0xFFFFFFFF  }
0xa7: {  	s28 =	simm.s32 $_size_execute0_lowered;
	s3 =	sadd.s32 s3, s5;
	[dreg:$0x0] =	wrdreg $0x0  }
0xa8: {  	s5 =	sshll.u32 s28, $0x1;
	[dreg:$0x2] =	wrdreg s3  }
0xa9: {  	[dreg:$0x3] =	wrdreg s5  }
0xaa: {  	[dreg:$0x4] =	wrdreg $0xC0  }
0xab: {  	_ =	task [dreg:s7], $0x5FFFF  }
0xac: {  	[dreg:$0x1] =	wrdreg $0xFFFFFFFF  }
0xad: {  	[dreg:$0x0] =	wrdreg $0x60  }
0xae: {  	[dreg:$0x2] =	wrdreg s2  }
0xaf: {  	[dreg:$0x3] =	wrdreg s24  }
0xb0: {  	[dreg:$0x4] =	wrdreg $0x9  }
0xb1: {  	_ =	task.clear_ibuf [dreg:s7], $0x5FFFF;
	_ =	strace $0x90000046  }
0xb2: {  	s29 =	simm.s32 $0x9;
	_ =	strace $0x80000048  }
0xb3: {  	_ =	swait.ge [sflag:s29], $0x1  }
0xb4: {  	[sflag:s29] =	ssyncadd.s32 $0xFFFFFFFF  }
0xb5: {  	_ =	strace $0x90000048  }
0xb6: {  	_ =	sfence  }
0xb7: {  	s30 =	sld [smem:$0x0];
	_ =	sdelay $0x2  }
0xb8: {  	s31 =	sshll.u32 s1, $0xD;
	s1 =	sshrl.u32 s1, $0x2  }
0xb9: {  	s3 =	sand.u32 $0x4000, s31;
	s1 =	sadd.s32 s1, s30  }
0xba: {  	s0 =	sor.u32 s3, s0;
	s1 =	sshll.u32 s1, $0x11  }
0xbb: {  	s0 =	sor.u32 s1, s0  }
0xbc: {  	s0 =	sadd.s32 $0x8F2B, s0  }
0xbd: {  	[sflag:s0] =	ssyncadd.remote.s32 $0x1  }
0xbe: {  	_ =	sfence.sel $0xFFFF  }
0xbf: {  	[dreg:$0x0] =	wrdreg $0xFFFFFFFF;
	(pc) =	sbr.abs _section_cstart, $3  }
0xc0: {  	[dreg:$0x1] =	wrdreg $0xFFFFFFFF  }
0xc1: {  	_ =	task.clear_ibuf [dreg:s7], $0x2FFFF;
	_ =	strace $0x9FFFFFFF  }
0xc2: {  	(tm) =	ssettm $0x7FFFFFFF  }
0xc3: {  	_ =	shalt  }
tec
execute0_lowered:
.L_overlay_start_1:
0x0: {  	(tag) =	ssettag $0x1  }
0x1: {  	s5 =	rddreg [dreg:$0x0];
	s1 =	srdreg.scid  }
0x2: {  	s0 =	stileid.u32;
	s3 =	rddreg [dreg:$0x1]  }
0x3: {  	s2 =	simm.s32 $0x0;
	s12 =	simm.s32 $0x8000;
	s13 =	simm.s32 $0x1  }
0x4: {  	s14 =	simm.s32 $0x2;
	s15 =	simm.s32 $0x10000;
	s16 =	simm.s32 $0x3  }
0x5: {  	s17 =	simm.s32 $0x10080;
	s4 =	sand.u32 $0x1, s1;
	s1 =	rddreg [dreg:$0x2]  }
0x6: {  	s18 =	simm.s32 $0x0;
	s6 =	sshll.u32 s0, $0x1;
	[smem:$0x7FF] =	sst s2  }
0x7: {  	s6 =	sor.u32 s4, s6;
	_ =	strace $0x80000047;
	s30 =	ssub.s32 $0x2, s4  }
0x8: {  	s7 =	sshll.u32 s6, $0x4;
	s11 =	sshll.u32 s6, $0x6;
	s6 =	sshll.u32 s6, $0xE  }
.Ltmp0:
0x9: {  	s8 =	sshrl.u32 s30, $0x1;
	s9 =	sadd.s32 s7, s3;
	(pc) =	sbr.rel .LBB2_1-.Ltmp0, $4  }
0xa: {  	s3 =	sor.u32 $0x7800, s11;
	s10 =	ssub.s32 s30, s8;
	s11 =	sor.u32 $0x7810, s11  }
0xb: {  	s31 =	sshll.u32 s3, $0x8;
	s8 =	sadd.s32 $0xE00, s9;
	s9 =	sadd.s32 $0x1000, s9  }
0xc: {  	s10 =	smax.u32 s10, $0x1;
	s4 =	sadd.s32 s5, s31;
	s5 =	sadd.s32 s6, s5  }
0xd: {  	s5 =	sadd.s32 $0x781000, s5;
	s6 =	sadd.s32 $0x2000, s4;
	s7 =	sadd.s32 $0x3000, s4  }
.LBB2_12:
0xe: {  	v0 =	vmov s19  }
0xf: {  	v63 =	vmov s20;
	[tilespmem:$0x10000] =	vst v0  }
0x10: {  	[tilespmem:$0x10080] =	vst v63  }
0x11: {  	[hbm4b:s8+s2] =	stream.linear.scatter [tilespmem:s15], [sflag:$0x3], $0x80, $0x38;
	[tilespmem:$0x10100] =	vst v63  }
0x12: {  	s18 =	sadd.s32 $0x1, s18;
	_ =	swait.ge [sflag:s16], $0x80  }
0x13: {  	p0 =	sne.s32 s18, s10;
	[sflag:s16] =	ssyncset.done $0x0  }
.Ltmp1:
0x14: {  	[sflag:s16] =	ssyncadd.s32 $0xFFFFFF80;
	(pc) =	sbr.rel @!p0 .LBB2_13-.Ltmp1, $4  }
0x15: {  	[hbm4b:s9+s2] =	stream.linear.scatter [tilespmem:s17], [sflag:$0x3], $0x80, $0x38;
	[tilespmem:$0x10100] =	vst v63  }
0x16: {  	_ =	swait.ge [sflag:s16], $0x80  }
0x17: {  	[sflag:s16] =	ssyncset.done $0x0  }
0x18: {  	[sflag:s16] =	ssyncadd.s32 $0xFFFFFF80  }
.LBB2_1:
0x19: {  	[tilespmem:s2], [sflag:$0x1] =	stream.linear.gather [hbm4b:s4+s2], $0x8000, $0x38;
	[tilespmem:$0x10100] =	vst v63  }
0x1a: {  	p0 =	por $0x1, $0x1;
	s19 =	simm.f32 $-Inf  }
0x1b: {  	s23 =	smov.u32 s5;
	s20 =	simm.s32 $0x0;
	s21 =	simm.s32 $0x0  }
.LBB2_2:
0x1c: {  	s22 =	simm.s32 $0x0  }
0x1d: {  	[tilespmem:s12], [sflag:$0x2] =	stream.linear.gather [hbm4b:s23+s22], $0x8000, $0x38;
	[tilespmem:$0x10100] =	vst v63  }
0x1e: {  	_ =	swait.ge [sflag:s13], $0x8000  }
0x1f: {  	s24 =	simm.s32 $0x0;
	[sflag:s13] =	ssyncset.done $0x0  }
0x20: {  	s25 =	simm.s32 $0x0;
	s23 =	sor.u32 s3, s21;
	[sflag:s13] =	ssyncadd.s32 $0xFFFF8000  }
.LBB2_3:
0x21: {  	s26 =	sshll.u32 s24, $0x2;
	s28 =	sand.u32 $0x7, s22  }
0x22: {  	s26 =	sand.u32 $0xFFFF0000, s26;
	s28 =	sshll.u32 s28, $0x9  }
0x23: {  	s26 =	sor.u32 s28, s26  }
0x24: {  	s26 =	sshrl.u32 s26, $0x2  }
0x25: {  	s26 =	sor.u32 $0x40, s26  }
0x26: {  	v0 =	vmov s26;
	_ =	sdelay $0x3  }
0x27: {  	s31 =	simm.s32 $0x0  }
0x28: {  	v1 =	vld.idx.msk [tilespmem:v0+s31+$0xFFFFFFC0 ss:$0x1], $0xffff;
	_ =	sdelay $0x1  }
0x29: {  	v2 =	vld.idx.msk [tilespmem:v0+s31+$0xFFFFFFD0 ss:$0x1], $0xffff;
	_ =	sdelay $0x1  }
0x2a: {  	v3 =	vld.idx.msk [tilespmem:v0+s31+$0xFFFFFFE0 ss:$0x1], $0xffff  }
0x2b: {  	v1 =	vmul.f32 v1, v1  }
0x2c: {  	v4 =	vimm.f32 $0.0e+00;
	v5 =	vld.idx.msk [tilespmem:v0+s31+$0xFFFFFFF0 ss:$0x1], $0xffff  }
0x2d: {  	v2 =	vmul.f32 v2, v2;
	v1 =	vadd.f32 v1, v4  }
0x2e: {  	v6 =	vld.idx.msk [tilespmem:v0+s31+$0x0 ss:$0x1], $0xffff  }
0x2f: {  	v3 =	vmul.f32 v3, v3;
	v2 =	vadd.f32 v2, v1  }
0x30: {  	v1 =	vld.idx.msk [tilespmem:v0+s31+$0x10 ss:$0x1], $0xffff  }
0x31: {  	v4 =	vmul.f32 v5, v5;
	v3 =	vadd.f32 v3, v2  }
0x32: {  	v2 =	vld.idx.msk [tilespmem:v0+s31+$0x20 ss:$0x1], $0xffff  }
0x33: {  	v5 =	vmul.f32 v6, v6;
	v4 =	vadd.f32 v4, v3  }
0x34: {  	s28 =	simm.s32 $0x2000;
	s26 =	simm.s32 $0x400;
	v3 =	vld.idx.msk [tilespmem:v0+s31+$0x30 ss:$0x1], $0xffff  }
.LBB2_4:
0x35: {  	p1 =	sne.s32 s28, $0xF000;
	v6 =	vld.idx.msk [tilespmem:v0+s26+$0xFFFFFFC0 ss:$0x1], $0xffff;
	v4 =	vadd.f32 v5, v4;
	v1 =	vmul.f32 v1, v1;
	_ =	sdelay $0x1  }
0x36: {  	v2 =	vmul.f32 v2, v2;
	v5 =	vld.idx.msk [tilespmem:v0+s26+$0xFFFFFFD0 ss:$0x1], $0xffff;
	v1 =	vadd.f32 v1, v4;
	_ =	sdelay $0x1  }
0x37: {  	v4 =	vld.idx.msk [tilespmem:v0+s26+$0xFFFFFFE0 ss:$0x1], $0xffff;
	v1 =	vadd.f32 v2, v1;
	v2 =	vmul.f32 v3, v3;
	_ =	sdelay $0x1  }
0x38: {  	v3 =	vmul.f32 v6, v6;
	v6 =	vld.idx.msk [tilespmem:v0+s26+$0xFFFFFFF0 ss:$0x1], $0xffff;
	v1 =	vadd.f32 v2, v1;
	_ =	sdelay $0x1  }
0x39: {  	v2 =	vmul.f32 v5, v5;
	v1 =	vadd.f32 v3, v1;
	v3 =	vld.idx.msk [tilespmem:v0+s26+$0x0 ss:$0x1], $0xffff;
	_ =	sdelay $0x1  }
0x3a: {  	v4 =	vmul.f32 v4, v4;
	v2 =	vadd.f32 v2, v1;
	v1 =	vld.idx.msk [tilespmem:v0+s26+$0x10 ss:$0x1], $0xffff  }
.Ltmp2:
0x3b: {  	(pc) =	sbr.rel @p1 .LBB2_4-.Ltmp2, $3  }
0x3c: {  	v5 =	vmul.f32 v6, v6;
	v4 =	vadd.f32 v4, v2;
	v2 =	vld.idx.msk [tilespmem:v0+s26+$0x20 ss:$0x1], $0xffff;
	_ =	sdelay $0x1  }
0x3d: {  	v4 =	vadd.f32 v5, v4;
	v5 =	vmul.f32 v3, v3;
	v3 =	vld.idx.msk [tilespmem:v0+s26+$0x30 ss:$0x1], $0xffff  }
0x3e: {  	s26 =	sshra.s32 s28, $0x2;
	s28 =	sadd.s32 $0x1000, s28  }
0x3f: {  	_ =	sdelay $0x2  }
0x40: {  	v4 =	vadd.f32 v5, v4;
	v1 =	vmul.f32 v1, v1  }
0x41: {  	v52 =	vld.idx.msk [tilespmem:v0+s26+$0xFFFFFFC0 ss:$0x1], $0xffff  }
0x42: {  	v2 =	vmul.f32 v2, v2;
	v1 =	vadd.f32 v1, v4  }
0x43: {  	v53 =	vld.idx.msk [tilespmem:v0+s26+$0xFFFFFFD0 ss:$0x1], $0xffff  }
0x44: {  	v54 =	vmul.f32 v3, v3;
	v1 =	vadd.f32 v2, v1  }
0x45: {  	v55 =	vld.idx.msk [tilespmem:v0+s26+$0xFFFFFFE0 ss:$0x1], $0xffff  }
0x46: {  	v5 =	vmul.f32 v52, v52;
	v1 =	vadd.f32 v54, v1  }
0x47: {  	v56 =	vld.idx.msk [tilespmem:v0+s26+$0xFFFFFFF0 ss:$0x1], $0xffff  }
0x48: {  	v4 =	vmul.f32 v53, v53;
	v1 =	vadd.f32 v5, v1  }
0x49: {  	v57 =	vld.idx.msk [tilespmem:v0+s26+$0x0 ss:$0x1], $0xffff  }
0x4a: {  	v3 =	vmul.f32 v55, v55;
	v1 =	vadd.f32 v4, v1  }
0x4b: {  	v58 =	vld.idx.msk [tilespmem:v0+s26+$0x10 ss:$0x1], $0xffff  }
0x4c: {  	v2 =	vmul.f32 v56, v56;
	v1 =	vadd.f32 v3, v1  }
0x4d: {  	v59 =	vld.idx.msk [tilespmem:v0+s26+$0x20 ss:$0x1], $0xffff  }
0x4e: {  	v60 =	vmul.f32 v57, v57;
	v1 =	vadd.f32 v2, v1  }
0x4f: {  	v61 =	vld.idx.msk [tilespmem:v0+s26+$0x30 ss:$0x1], $0xffff  }
0x50: {  	v62 =	vmul.f32 v58, v58;
	v1 =	vadd.f32 v60, v1;
	_ =	sdelay $0x1  }
0x51: {  	v63 =	vmul.f32 v59, v59;
	v1 =	vadd.f32 v62, v1;
	_ =	sdelay $0x1  }
0x52: {  	v0 =	vmul.f32 v61, v61;
	v1 =	vadd.f32 v63, v1;
	_ =	sdelay $0x1  }
0x53: {  	v0 =	vadd.f32 v0, v1;
	_ =	sdelay $0x1  }
0x54: {  	(xrf2) =	vadd.scan.msk.f32 $0xffff, v0;
	_ =	sdelay $0x9  }
0x55: {  	v0, _, _ =	vpop (xrf2)  }
0x56: {  	(v2sf) =	vpush v0, $0xF;
	_ =	sdelay $0xb  }
0x57: {  	s28 =	sor.u32 s25, s23;
	s25 =	sadd.s32 $0x1, s25  }
0x58: {  	p2 =	sne.s32 s25, $0x10  }
.Ltmp3:
0x59: {  	_ = 	snop;
	(pc) =	sbr.rel @p2 .LBB2_3-.Ltmp3, $4  }
0x5a: {  	s26 =	spop (v2sf)  }
0x5b: {  	p1 =	sgt.f32 s26, s19  }
0x5c: {  	s24 =	sadd.s32 $0x800, s24  }
0x5d: {  	s22 =	sadd.s32 $0x1, s22;
	s19 =	smov.u32 @p1 s26;
	s20 =	smov.u32 @p1 s28  }
0x5e: {  	s22 =	simm.s32 @p0 $0x0  }
0x5f: {  	[tilespmem:s22], [sflag:$0x1] =	stream.linear.gather @p0 [hbm4b:s6+s22], $0x8000, $0x38;
	[tilespmem:$0x10100] =	vst v63  }
0x60: {  	_ =	swait.ge [sflag:s14], $0x8000  }
0x61: {  	s21 =	sor.u32 s11, s21;
	s23 =	simm.s32 $0x0;
	[sflag:s14] =	ssyncset.done $0x0  }
0x62: {  	s24 =	simm.s32 $0x0;
	s22 =	simm.s32 $0x0;
	[sflag:s14] =	ssyncadd.s32 $0xFFFF8000  }
.LBB2_7:
0x63: {  	s25 =	sshll.u32 s23, $0x2;
	s26 =	sand.u32 $0x7, s22  }
0x64: {  	s25 =	sand.u32 $0xFFFF0000, s25;
	s26 =	sshll.u32 s26, $0x9  }
0x65: {  	s25 =	sor.u32 s26, s25  }
0x66: {  	s25 =	sshrl.u32 s25, $0x2  }
0x67: {  	v0 =	vmov s25;
	_ =	sdelay $0x3  }
0x68: {  	s31 =	simm.s32 $0x0  }
0x69: {  	v1 =	vld.idx.msk [tilespmem:v0+s31+$0x8000 ss:$0x1], $0xffff;
	_ =	sdelay $0x1  }
0x6a: {  	v2 =	vld.idx.msk [tilespmem:v0+s31+$0x8010 ss:$0x1], $0xffff;
	_ =	sdelay $0x1  }
0x6b: {  	v3 =	vld.idx.msk [tilespmem:v0+s31+$0x8020 ss:$0x1], $0xffff  }
0x6c: {  	v1 =	vmul.f32 v1, v1  }
0x6d: {  	v4 =	vimm.f32 $0.0e+00;
	v5 =	vld.idx.msk [tilespmem:v0+s31+$0x8030 ss:$0x1], $0xffff  }
0x6e: {  	v2 =	vmul.f32 v2, v2;
	v1 =	vadd.f32 v1, v4  }
0x6f: {  	v6 =	vld.idx.msk [tilespmem:v0+s31+$0x8040 ss:$0x1], $0xffff  }
0x70: {  	v3 =	vmul.f32 v3, v3;
	v2 =	vadd.f32 v2, v1  }
0x71: {  	v1 =	vld.idx.msk [tilespmem:v0+s31+$0x8050 ss:$0x1], $0xffff  }
0x72: {  	v4 =	vmul.f32 v5, v5;
	v3 =	vadd.f32 v3, v2  }
0x73: {  	v2 =	vld.idx.msk [tilespmem:v0+s31+$0x8060 ss:$0x1], $0xffff  }
0x74: {  	v5 =	vmul.f32 v6, v6;
	v4 =	vadd.f32 v4, v3  }
0x75: {  	s26 =	simm.s32 $0x2000;
	s25 =	simm.s32 $0x400;
	v3 =	vld.idx.msk [tilespmem:v0+s31+$0x8070 ss:$0x1], $0xffff  }
.LBB2_8:
0x76: {  	p1 =	sne.s32 s26, $0xF000;
	v6 =	vld.idx.msk [tilespmem:v0+s25+$0x8000 ss:$0x1], $0xffff;
	v4 =	vadd.f32 v5, v4;
	v1 =	vmul.f32 v1, v1;
	_ =	sdelay $0x1  }
0x77: {  	v2 =	vmul.f32 v2, v2;
	v5 =	vld.idx.msk [tilespmem:v0+s25+$0x8010 ss:$0x1], $0xffff;
	v1 =	vadd.f32 v1, v4;
	_ =	sdelay $0x1  }
0x78: {  	v4 =	vld.idx.msk [tilespmem:v0+s25+$0x8020 ss:$0x1], $0xffff;
	v1 =	vadd.f32 v2, v1;
	v2 =	vmul.f32 v3, v3;
	_ =	sdelay $0x1  }
0x79: {  	v3 =	vmul.f32 v6, v6;
	v6 =	vld.idx.msk [tilespmem:v0+s25+$0x8030 ss:$0x1], $0xffff;
	v1 =	vadd.f32 v2, v1;
	_ =	sdelay $0x1  }
0x7a: {  	v2 =	vmul.f32 v5, v5;
	v1 =	vadd.f32 v3, v1;
	v3 =	vld.idx.msk [tilespmem:v0+s25+$0x8040 ss:$0x1], $0xffff;
	_ =	sdelay $0x1  }
0x7b: {  	v4 =	vmul.f32 v4, v4;
	v2 =	vadd.f32 v2, v1;
	v1 =	vld.idx.msk [tilespmem:v0+s25+$0x8050 ss:$0x1], $0xffff  }
.Ltmp4:
0x7c: {  	(pc) =	sbr.rel @p1 .LBB2_8-.Ltmp4, $3  }
0x7d: {  	v5 =	vmul.f32 v6, v6;
	v4 =	vadd.f32 v4, v2;
	v2 =	vld.idx.msk [tilespmem:v0+s25+$0x8060 ss:$0x1], $0xffff;
	_ =	sdelay $0x1  }
0x7e: {  	v4 =	vadd.f32 v5, v4;
	v5 =	vmul.f32 v3, v3;
	v3 =	vld.idx.msk [tilespmem:v0+s25+$0x8070 ss:$0x1], $0xffff  }
0x7f: {  	s25 =	sshra.s32 s26, $0x2;
	s26 =	sadd.s32 $0x1000, s26  }
0x80: {  	_ =	sdelay $0x2  }
0x81: {  	v4 =	vadd.f32 v5, v4;
	v1 =	vmul.f32 v1, v1  }
0x82: {  	v52 =	vld.idx.msk [tilespmem:v0+s25+$0x8000 ss:$0x1], $0xffff  }
0x83: {  	v2 =	vmul.f32 v2, v2;
	v1 =	vadd.f32 v1, v4  }
0x84: {  	v53 =	vld.idx.msk [tilespmem:v0+s25+$0x8010 ss:$0x1], $0xffff  }
0x85: {  	v54 =	vmul.f32 v3, v3;
	v1 =	vadd.f32 v2, v1  }
0x86: {  	v55 =	vld.idx.msk [tilespmem:v0+s25+$0x8020 ss:$0x1], $0xffff  }
0x87: {  	v5 =	vmul.f32 v52, v52;
	v1 =	vadd.f32 v54, v1  }
0x88: {  	v56 =	vld.idx.msk [tilespmem:v0+s25+$0x8030 ss:$0x1], $0xffff  }
0x89: {  	v4 =	vmul.f32 v53, v53;
	v1 =	vadd.f32 v5, v1  }
0x8a: {  	v57 =	vld.idx.msk [tilespmem:v0+s25+$0x8040 ss:$0x1], $0xffff  }
0x8b: {  	v3 =	vmul.f32 v55, v55;
	v1 =	vadd.f32 v4, v1  }
0x8c: {  	v58 =	vld.idx.msk [tilespmem:v0+s25+$0x8050 ss:$0x1], $0xffff  }
0x8d: {  	v2 =	vmul.f32 v56, v56;
	v1 =	vadd.f32 v3, v1  }
0x8e: {  	v59 =	vld.idx.msk [tilespmem:v0+s25+$0x8060 ss:$0x1], $0xffff  }
0x8f: {  	v60 =	vmul.f32 v57, v57;
	v1 =	vadd.f32 v2, v1  }
0x90: {  	v61 =	vld.idx.msk [tilespmem:v0+s25+$0x8070 ss:$0x1], $0xffff  }
0x91: {  	v62 =	vmul.f32 v58, v58;
	v1 =	vadd.f32 v60, v1;
	_ =	sdelay $0x1  }
0x92: {  	v63 =	vmul.f32 v59, v59;
	v1 =	vadd.f32 v62, v1;
	_ =	sdelay $0x1  }
0x93: {  	v0 =	vmul.f32 v61, v61;
	v1 =	vadd.f32 v63, v1;
	_ =	sdelay $0x1  }
0x94: {  	v0 =	vadd.f32 v0, v1;
	_ =	sdelay $0x1  }
0x95: {  	(xrf2) =	vadd.scan.msk.f32 $0xffff, v0;
	_ =	sdelay $0x9  }
0x96: {  	v0, _, _ =	vpop (xrf2)  }
0x97: {  	(v2sf) =	vpush v0, $0xF;
	_ =	sdelay $0xb  }
0x98: {  	s26 =	sor.u32 s21, s24;
	s24 =	sadd.s32 $0x1, s24  }
0x99: {  	p2 =	sne.s32 s24, $0x10  }
.Ltmp5:
0x9a: {  	_ = 	snop;
	(pc) =	sbr.rel @p2 .LBB2_7-.Ltmp5, $4  }
0x9b: {  	s25 =	spop (v2sf)  }
0x9c: {  	p1 =	sgt.f32 s25, s19  }
0x9d: {  	s23 =	sadd.s32 $0x800, s23  }
0x9e: {  	s22 =	sadd.s32 $0x1, s22;
	s19 =	smov.u32 @p1 s25;
	s20 =	smov.u32 @p1 s26  }
.Ltmp6:
0x9f: {  	(pc) =	sbr.rel @!p0 .LBB2_12-.Ltmp6, $1  }
0xa0: {  	_ =	sdelay $0x3  }
.Ltmp7:
0xa1: {  	(pc) =	sbr.rel .LBB2_2-.Ltmp7, $2  }
0xa2: {  	_ =	sdelay $0x2  }
0xa3: {  	s21 =	simm.s32 $0x20;
	p0 =	por $0x0, $0x0;
	s23 =	smov.u32 s7  }
.LBB2_13:
0xa4: {  	_ =	sfence.sel $0x180000  }
0xa5: {  	[bflag:$0x0] =	sbarrier.arrive $0xFFFF  }
0xa6: {  	p0 =	sne.s32 s0, $0x0;
	_ =	strace $0x90000047  }
0xa7: {  	s0 =	sadd.s32 @!p0 $0x100000, s1;
	[bflag:$0x2] =	sbarrier.arrive $0xFFFF  }
0xa8: {  	[sflag:s0] =	ssyncadd.tile.s32 @!p0 $0x1;
	_ =	shalt  }
.Lfunc_end2:
_tile_overlayer_lowered:
.L_overlay_start_2:
0xa9: {  	(tag) =	ssettag $0x2  }
0xaa: {  	s0 =	rddreg [dreg:$0x0];
	s2 =	stileid.u32  }
0xab: {  	s1 =	rddreg [dreg:$0x1];
	p0 =	sne.s32 s2, $0x0  }
0xac: {  	s3 =	rddreg [dreg:$0x2];
	[bflag:$0x3] =	sbarrier.arrive $0xFFFF;
	s2 =	simm.s32 @!p0 $0x1C03  }
0xad: {  	[timem:s3], [sflag:s2] =	dma.local @!p0 [hbm:s0], s1  }
0xae: {  	s0 =	simm.s32 @!p0 $0x3  }
0xaf: {  	_ =	swait.ge @!p0 [sflag:s0], s1  }
0xb0: {  	s1 =	ssub.s32 @!p0 $0x0, s1;
	[sflag:s0] =	ssyncset.done @!p0 $0x0  }
0xb1: {  	[sflag:s0] =	ssyncadd.s32 @!p0 s1  }
0xb2: {  	[bflag:$0x3] =	sbarrier.arrive $0xFFFF  }
0xb3: {  	_ =	shalt  }

</sc_bundles>
